<compile_context>
chip_gen: v7x
topology: tpu7x:2x2x1
jax: 0.10.2.dev20260603
libtpu: 0.0.44.dev20260713+nightly
codegen_flags: <defaults>
</compile_context>

<pallas_src>
import functools

import jax
import jax.numpy as jnp
from jax import lax
from jax.experimental import pallas as pl
from jax.experimental.pallas import tpu as pltpu
from jax.experimental.pallas import tpu_sc as plsc

N_TOKENS = 1000
D = 64
B_ROWS = 4096
B_COLS = 200
B = B_ROWS * B_COLS

NC = 2
NS = 16
NW = NC * NS
BPW = B // NW
CH = 128
NCHUNK = BPW // CH

R = 8
G = 4

_mesh = plsc.VectorSubcoreMesh(core_axis_name="c", subcore_axis_name="s")


@functools.partial(
    pl.kernel,
    mesh=_mesh,
    compiler_params=pltpu.CompilerParams(use_tc_tiling_on_sc=False),
    out_type=jax.ShapeDtypeStruct((NW, NCHUNK, CH, D), jnp.float32),
    scratch_types=[
        pltpu.VMEM((NCHUNK, CH), jnp.int32),
    ]
    + [pltpu.VMEM((CH, D), jnp.float32) for _ in range(R)]
    + [pltpu.SemaphoreType.DMA for _ in range(2 * R)],
)
def _emb_lookup(table_hbm, ids_hbm, out_hbm, idx_v, *rest):
    rows = rest[:R]
    gsem = rest[R:2 * R]
    ssem = rest[2 * R:]

    wid = lax.axis_index("s") * NC + lax.axis_index("c")

    pltpu.sync_copy(ids_hbm.at[wid], idx_v)

    for b in range(G):
        pltpu.async_copy(table_hbm.at[idx_v.at[b]], rows[b], gsem[b])

    def step(j2, _):
        for b in range(R):
            j = j2 * R + b
            pltpu.make_async_copy(table_hbm.at[pl.ds(0, CH)], rows[b], gsem[b]).wait()
            pltpu.async_copy(rows[b], out_hbm.at[wid, j], ssem[b])
            f = j + G
            bf = (b + G) % R

            @pl.when(f < NCHUNK)
            def _():
                @pl.when(j >= R - G)
                def _():
                    pltpu.make_async_copy(
                        rows[bf], out_hbm.at[wid, 0], ssem[bf]).wait()

                pltpu.async_copy(table_hbm.at[idx_v.at[f]], rows[bf], gsem[bf])

        return 0

    lax.fori_loop(0, NCHUNK // R, step, 0)

    for b in range(R):
        pltpu.make_async_copy(rows[b], out_hbm.at[wid, 0], ssem[b]).wait()


def kernel(token_ids, embedding_table):
    ids = token_ids.astype(jnp.int32).reshape(NW, NCHUNK, CH)
    out = _emb_lookup(embedding_table, ids)
    return out.reshape(B_ROWS, B_COLS, D)

# --- scband reference (transcript-rebuilt; emitter-appended) ---
"""Pipeline reference for scband-special-token-encoder-19722489823366 (READ-ONLY COPY).

The authoritative reference and input builder live on the scoring server;
editing this copy changes nothing except your own understanding.
"""

import jax, jax.numpy as jnp
import numpy as np

N_TOKENS = 1000
OUTPUT_DIM = 64


def setup_inputs(seed: int = 0) -> dict:
    key = jax.random.key(seed)
    k_idx, k_tab = jax.random.split(key)
    token_ids = jax.random.randint(k_idx, (4096, 200), 0, N_TOKENS, dtype=jnp.int64 if jax.config.jax_enable_x64 else jnp.int32)
    embedding_table = jax.random.normal(k_tab, (N_TOKENS, OUTPUT_DIM), dtype=jnp.float32)
    return {"token_ids": token_ids, "embedding_table": embedding_table}


def reference(token_ids, embedding_table):
    # nn.Embedding forward: gather rows of the table by token id
    return jnp.take(embedding_table, token_ids, axis=0)

if __name__ == "__main__":
    import jax
    _d = setup_inputs()
    print(jax.jit(kernel)(*tuple(_d.values())))

</pallas_src>

<mosaic_0001>
#map = affine_map<(d0, d1) -> (0, 0)>
#map1 = affine_map<(d0, d1) -> (0, 0, 0)>
#map2 = affine_map<(d0, d1) -> (0, 0, 0, 0)>
module attributes {stable_mosaic.version = 14 : i64} {
  func.func @_emb_lookup(%arg0: i32, %arg1: i32, %arg2: memref<1000x64xf32, #tpu.memory_space<hbm>>, %arg3: memref<32x200x128xi32, #tpu.memory_space<hbm>>, %arg4: memref<32x200x128x64xf32, #tpu.memory_space<hbm>>, %arg5: memref<200x128xi32, #tpu.memory_space<vmem>>, %arg6: memref<128x64xf32, #tpu.memory_space<vmem>>, %arg7: memref<128x64xf32, #tpu.memory_space<vmem>>, %arg8: memref<128x64xf32, #tpu.memory_space<vmem>>, %arg9: memref<128x64xf32, #tpu.memory_space<vmem>>, %arg10: memref<128x64xf32, #tpu.memory_space<vmem>>, %arg11: memref<128x64xf32, #tpu.memory_space<vmem>>, %arg12: memref<128x64xf32, #tpu.memory_space<vmem>>, %arg13: memref<128x64xf32, #tpu.memory_space<vmem>>, %arg14: memref<!tpu.dma_semaphore, #tpu.memory_space<semaphore_mem>>, %arg15: memref<!tpu.dma_semaphore, #tpu.memory_space<semaphore_mem>>, %arg16: memref<!tpu.dma_semaphore, #tpu.memory_space<semaphore_mem>>, %arg17: memref<!tpu.dma_semaphore, #tpu.memory_space<semaphore_mem>>, %arg18: memref<!tpu.dma_semaphore, #tpu.memory_space<semaphore_mem>>, %arg19: memref<!tpu.dma_semaphore, #tpu.memory_space<semaphore_mem>>, %arg20: memref<!tpu.dma_semaphore, #tpu.memory_space<semaphore_mem>>, %arg21: memref<!tpu.dma_semaphore, #tpu.memory_space<semaphore_mem>>, %arg22: memref<!tpu.dma_semaphore, #tpu.memory_space<semaphore_mem>>, %arg23: memref<!tpu.dma_semaphore, #tpu.memory_space<semaphore_mem>>, %arg24: memref<!tpu.dma_semaphore, #tpu.memory_space<semaphore_mem>>, %arg25: memref<!tpu.dma_semaphore, #tpu.memory_space<semaphore_mem>>, %arg26: memref<!tpu.dma_semaphore, #tpu.memory_space<semaphore_mem>>, %arg27: memref<!tpu.dma_semaphore, #tpu.memory_space<semaphore_mem>>, %arg28: memref<!tpu.dma_semaphore, #tpu.memory_space<semaphore_mem>>, %arg29: memref<!tpu.dma_semaphore, #tpu.memory_space<semaphore_mem>>) attributes {dimension_semantics = [#tpu.dimension_semantics<core_parallel>, #tpu.dimension_semantics<subcore_parallel>], iteration_bounds = array<i64: 2, 16>, scalar_prefetch = 0 : i64, scratch_operands = 25 : i64, tpu.core_type = #tpu.core_type<sc_vector_subcore>, window_params = [{transform_indices = #map}, {transform_indices = #map1}, {transform_indices = #map2}]} {
    %mul3A = arith.constant 2 : i32
    %mul3A_0 = arith.muli %arg1, %mul3A : i32
    %add3A = arith.addi %mul3A_0, %arg0 : i32
    "tpu.region"() ({
      %run_scoped3A = tpu.sem_alloc : memref<!tpu.dma_semaphore, #tpu.memory_space<semaphore_mem>>
      %dma_start3A_105 = arith.constant 0 : i32
      %dma_start3A_106 = arith.constant 0 : i32
      %dma_start3A_107 = tpu.memref_slice %arg3[%add3A, %dma_start3A_105, %dma_start3A_106] : memref<32x200x128xi32, #tpu.memory_space<hbm>> -> memref<1x200x128xi32, #tpu.memory_space<hbm>>
      %dma_start3A_108 = tpu.memref_squeeze %dma_start3A_107 : memref<1x200x128xi32, #tpu.memory_space<hbm>> -> memref<200x128xi32, #tpu.memory_space<hbm>>
      %dma_start3A_109 = arith.constant 0 : i32
      %dma_start3A_110 = arith.constant 0 : i32
      %dma_start3A_111 = tpu.memref_slice %arg3[%add3A, %dma_start3A_109, %dma_start3A_110] : memref<32x200x128xi32, #tpu.memory_space<hbm>> -> memref<1x200x128xi32, #tpu.memory_space<hbm>>
      %dma_start3A_112 = tpu.memref_squeeze %dma_start3A_111 : memref<1x200x128xi32, #tpu.memory_space<hbm>> -> memref<200x128xi32, #tpu.memory_space<hbm>>
      tpu.enqueue_dma source(%dma_start3A_112 : memref<200x128xi32, #tpu.memory_space<hbm>>) target(%arg5 : memref<200x128xi32, #tpu.memory_space<vmem>>) target_semaphore(%run_scoped3A : memref<!tpu.dma_semaphore, #tpu.memory_space<semaphore_mem>>)
      %dma_wait3A_113 = arith.constant 0 : i32
      %dma_wait3A_114 = arith.constant 0 : i32
      %dma_wait3A_115 = tpu.memref_slice %arg3[%add3A, %dma_wait3A_113, %dma_wait3A_114] : memref<32x200x128xi32, #tpu.memory_space<hbm>> -> memref<1x200x128xi32, #tpu.memory_space<hbm>>
      %dma_wait3A_116 = tpu.memref_squeeze %dma_wait3A_115 : memref<1x200x128xi32, #tpu.memory_space<hbm>> -> memref<200x128xi32, #tpu.memory_space<hbm>>
      %dma_wait3A_117 = arith.constant 0 : i32
      %dma_wait3A_118 = arith.constant 0 : i32
      %dma_wait3A_119 = tpu.memref_slice %arg3[%add3A, %dma_wait3A_117, %dma_wait3A_118] : memref<32x200x128xi32, #tpu.memory_space<hbm>> -> memref<1x200x128xi32, #tpu.memory_space<hbm>>
      %dma_wait3A_120 = tpu.memref_squeeze %dma_wait3A_119 : memref<1x200x128xi32, #tpu.memory_space<hbm>> -> memref<200x128xi32, #tpu.memory_space<hbm>>
      tpu.wait_dma2 semaphore(%run_scoped3A : memref<!tpu.dma_semaphore, #tpu.memory_space<semaphore_mem>>) src(%dma_wait3A_120 : memref<200x128xi32, #tpu.memory_space<hbm>>) dst(%arg5 : memref<200x128xi32, #tpu.memory_space<vmem>>)
      tpu.yield
    }) : () -> ()
    %dma_start3A = arith.constant 0 : i32
    %dma_start3A_1 = arith.constant 0 : i32
    %dma_start3A_2 = tpu.memref_slice %arg5[%dma_start3A, %dma_start3A_1] : memref<200x128xi32, #tpu.memory_space<vmem>> -> memref<1x128xi32, #tpu.memory_space<vmem>>
    %dma_start3A_3 = tpu.memref_squeeze %dma_start3A_2 : memref<1x128xi32, #tpu.memory_space<vmem>> -> memref<128xi32, #tpu.memory_space<vmem>>
    %dma_start3A_4 = arith.constant 0 : i32
    %dma_start3A_5 = arith.constant 0 : i32
    %dma_start3A_6 = tpu.memref_slice %arg2[%dma_start3A_4, %dma_start3A_5] : memref<1000x64xf32, #tpu.memory_space<hbm>> -> memref<1000x64xf32, #tpu.memory_space<hbm>>
    tpu.enqueue_indirect_dma source(%dma_start3A_6 : memref<1000x64xf32, #tpu.memory_space<hbm>>) target(%arg6 : memref<128x64xf32, #tpu.memory_space<vmem>>) offsets(%dma_start3A_3 : memref<128xi32, #tpu.memory_space<vmem>>) semaphore(%arg14 : memref<!tpu.dma_semaphore, #tpu.memory_space<semaphore_mem>>)
    %dma_start3A_7 = arith.constant 1 : i32
    %dma_start3A_8 = arith.constant 0 : i32
    %dma_start3A_9 = tpu.memref_slice %arg5[%dma_start3A_7, %dma_start3A_8] : memref<200x128xi32, #tpu.memory_space<vmem>> -> memref<1x128xi32, #tpu.memory_space<vmem>>
    %dma_start3A_10 = tpu.memref_squeeze %dma_start3A_9 : memref<1x128xi32, #tpu.memory_space<vmem>> -> memref<128xi32, #tpu.memory_space<vmem>>
    %dma_start3A_11 = arith.constant 0 : i32
    %dma_start3A_12 = arith.constant 0 : i32
    %dma_start3A_13 = tpu.memref_slice %arg2[%dma_start3A_11, %dma_start3A_12] : memref<1000x64xf32, #tpu.memory_space<hbm>> -> memref<1000x64xf32, #tpu.memory_space<hbm>>
    tpu.enqueue_indirect_dma source(%dma_start3A_13 : memref<1000x64xf32, #tpu.memory_space<hbm>>) target(%arg7 : memref<128x64xf32, #tpu.memory_space<vmem>>) offsets(%dma_start3A_10 : memref<128xi32, #tpu.memory_space<vmem>>) semaphore(%arg15 : memref<!tpu.dma_semaphore, #tpu.memory_space<semaphore_mem>>)
    %dma_start3A_14 = arith.constant 2 : i32
    %dma_start3A_15 = arith.constant 0 : i32
    %dma_start3A_16 = tpu.memref_slice %arg5[%dma_start3A_14, %dma_start3A_15] : memref<200x128xi32, #tpu.memory_space<vmem>> -> memref<1x128xi32, #tpu.memory_space<vmem>>
    %dma_start3A_17 = tpu.memref_squeeze %dma_start3A_16 : memref<1x128xi32, #tpu.memory_space<vmem>> -> memref<128xi32, #tpu.memory_space<vmem>>
    %dma_start3A_18 = arith.constant 0 : i32
    %dma_start3A_19 = arith.constant 0 : i32
    %dma_start3A_20 = tpu.memref_slice %arg2[%dma_start3A_18, %dma_start3A_19] : memref<1000x64xf32, #tpu.memory_space<hbm>> -> memref<1000x64xf32, #tpu.memory_space<hbm>>
    tpu.enqueue_indirect_dma source(%dma_start3A_20 : memref<1000x64xf32, #tpu.memory_space<hbm>>) target(%arg8 : memref<128x64xf32, #tpu.memory_space<vmem>>) offsets(%dma_start3A_17 : memref<128xi32, #tpu.memory_space<vmem>>) semaphore(%arg16 : memref<!tpu.dma_semaphore, #tpu.memory_space<semaphore_mem>>)
    %dma_start3A_21 = arith.constant 3 : i32
    %dma_start3A_22 = arith.constant 0 : i32
    %dma_start3A_23 = tpu.memref_slice %arg5[%dma_start3A_21, %dma_start3A_22] : memref<200x128xi32, #tpu.memory_space<vmem>> -> memref<1x128xi32, #tpu.memory_space<vmem>>
    %dma_start3A_24 = tpu.memref_squeeze %dma_start3A_23 : memref<1x128xi32, #tpu.memory_space<vmem>> -> memref<128xi32, #tpu.memory_space<vmem>>
    %dma_start3A_25 = arith.constant 0 : i32
    %dma_start3A_26 = arith.constant 0 : i32
    %dma_start3A_27 = tpu.memref_slice %arg2[%dma_start3A_25, %dma_start3A_26] : memref<1000x64xf32, #tpu.memory_space<hbm>> -> memref<1000x64xf32, #tpu.memory_space<hbm>>
    tpu.enqueue_indirect_dma source(%dma_start3A_27 : memref<1000x64xf32, #tpu.memory_space<hbm>>) target(%arg9 : memref<128x64xf32, #tpu.memory_space<vmem>>) offsets(%dma_start3A_24 : memref<128xi32, #tpu.memory_space<vmem>>) semaphore(%arg17 : memref<!tpu.dma_semaphore, #tpu.memory_space<semaphore_mem>>)
    %scan3A = arith.constant 0 : i32
    %scan3A_28 = arith.constant 0 : i32
    %scan3A_29 = arith.constant 25 : i32
    %scan3A_30 = arith.addi %scan3A_28, %scan3A_29 : i32
    %scan3A_31 = arith.constant 1 : i32
    %scan3A_32 = scf.for %scan3A_105 = %scan3A_28 to %scan3A_30 step %scan3A_31 iter_args(%scan3A_106 = %scan3A) -> (i32)  : i32 {
      %mul3A_107 = arith.constant 8 : i32
      %mul3A_108 = arith.muli %scan3A_105, %mul3A_107 : i32
      %add3A_109 = arith.constant 0 : i32
      %add3A_110 = arith.addi %mul3A_108, %add3A_109 : i32
      %dma_wait3A_111 = arith.constant 0 : i32
      %dma_wait3A_112 = arith.constant 0 : i32
      %dma_wait3A_113 = tpu.memref_slice %arg2[%dma_wait3A_111, %dma_wait3A_112] : memref<1000x64xf32, #tpu.memory_space<hbm>> -> memref<128x64xf32, #tpu.memory_space<hbm>>
      %dma_wait3A_114 = arith.constant 0 : i32
      %dma_wait3A_115 = arith.constant 0 : i32
      %dma_wait3A_116 = tpu.memref_slice %arg2[%dma_wait3A_114, %dma_wait3A_115] : memref<1000x64xf32, #tpu.memory_space<hbm>> -> memref<128x64xf32, #tpu.memory_space<hbm>>
      tpu.wait_dma2 semaphore(%arg14 : memref<!tpu.dma_semaphore, #tpu.memory_space<semaphore_mem>>) src(%dma_wait3A_116 : memref<128x64xf32, #tpu.memory_space<hbm>>) dst(%arg6 : memref<128x64xf32, #tpu.memory_space<vmem>>)
      %dma_start3A_117 = arith.constant 0 : i32
      %dma_start3A_118 = arith.constant 0 : i32
      %dma_start3A_119 = tpu.memref_slice %arg4[%add3A, %add3A_110, %dma_start3A_117, %dma_start3A_118] : memref<32x200x128x64xf32, #tpu.memory_space<hbm>> -> memref<1x1x128x64xf32, #tpu.memory_space<hbm>>
      %dma_start3A_120 = tpu.memref_squeeze %dma_start3A_119 : memref<1x1x128x64xf32, #tpu.memory_space<hbm>> -> memref<128x64xf32, #tpu.memory_space<hbm>>
      %dma_start3A_121 = arith.constant 0 : i32
      %dma_start3A_122 = arith.constant 0 : i32
      %dma_start3A_123 = tpu.memref_slice %arg4[%add3A, %add3A_110, %dma_start3A_121, %dma_start3A_122] : memref<32x200x128x64xf32, #tpu.memory_space<hbm>> -> memref<1x1x128x64xf32, #tpu.memory_space<hbm>>
      %dma_start3A_124 = tpu.memref_squeeze %dma_start3A_123 : memref<1x1x128x64xf32, #tpu.memory_space<hbm>> -> memref<128x64xf32, #tpu.memory_space<hbm>>
      tpu.enqueue_dma source(%arg6 : memref<128x64xf32, #tpu.memory_space<vmem>>) target(%dma_start3A_124 : memref<128x64xf32, #tpu.memory_space<hbm>>) target_semaphore(%arg22 : memref<!tpu.dma_semaphore, #tpu.memory_space<semaphore_mem>>)
      %add3A_125 = arith.constant 4 : i32
      %add3A_126 = arith.addi %add3A_110, %add3A_125 : i32
      %lt3A = arith.constant 200 : i32
      %lt3A_127 = arith.cmpi slt, %add3A_126, %lt3A : i32
      %convert_element_type3A = arith.extui %lt3A_127 : i1 to i32
      %cond3A = arith.constant 0 : i32
      %cond3A_128 = arith.cmpi ne, %convert_element_type3A, %cond3A : i32
      scf.if %cond3A_128 {
        %ge3A = arith.constant 4 : i32
        %ge3A_305 = arith.cmpi sge, %add3A_110, %ge3A : i32
        %convert_element_type3A_306 = arith.extui %ge3A_305 : i1 to i32
        %cond3A_307 = arith.constant 0 : i32
        %cond3A_308 = arith.cmpi ne, %convert_element_type3A_306, %cond3A_307 : i32
        scf.if %cond3A_308 {
          %dma_wait3A_315 = arith.constant 0 : i32
          %dma_wait3A_316 = arith.constant 0 : i32
          %dma_wait3A_317 = arith.constant 0 : i32
          %dma_wait3A_318 = tpu.memref_slice %arg4[%add3A, %dma_wait3A_315, %dma_wait3A_316, %dma_wait3A_317] : memref<32x200x128x64xf32, #tpu.memory_space<hbm>> -> memref<1x1x128x64xf32, #tpu.memory_space<hbm>>
          %dma_wait3A_319 = tpu.memref_squeeze %dma_wait3A_318 : memref<1x1x128x64xf32, #tpu.memory_space<hbm>> -> memref<128x64xf32, #tpu.memory_space<hbm>>
          %dma_wait3A_320 = arith.constant 0 : i32
          %dma_wait3A_321 = arith.constant 0 : i32
          %dma_wait3A_322 = tpu.memref_slice %arg4[%add3A, %dma_wait3A_315, %dma_wait3A_320, %dma_wait3A_321] : memref<32x200x128x64xf32, #tpu.memory_space<hbm>> -> memref<1x1x128x64xf32, #tpu.memory_space<hbm>>
          %dma_wait3A_323 = tpu.memref_squeeze %dma_wait3A_322 : memref<1x1x128x64xf32, #tpu.memory_space<hbm>> -> memref<128x64xf32, #tpu.memory_space<hbm>>
          tpu.wait_dma2 semaphore(%arg26 : memref<!tpu.dma_semaphore, #tpu.memory_space<semaphore_mem>>) src(%arg10 : memref<128x64xf32, #tpu.memory_space<vmem>>) dst(%dma_wait3A_323 : memref<128x64xf32, #tpu.memory_space<hbm>>)
        } else {
        }
        %dma_start3A_309 = arith.constant 0 : i32
        %dma_start3A_310 = tpu.memref_slice %arg5[%add3A_126, %dma_start3A_309] : memref<200x128xi32, #tpu.memory_space<vmem>> -> memref<1x128xi32, #tpu.memory_space<vmem>>
        %dma_start3A_311 = tpu.memref_squeeze %dma_start3A_310 : memref<1x128xi32, #tpu.memory_space<vmem>> -> memref<128xi32, #tpu.memory_space<vmem>>
        %dma_start3A_312 = arith.constant 0 : i32
        %dma_start3A_313 = arith.constant 0 : i32
        %dma_start3A_314 = tpu.memref_slice %arg2[%dma_start3A_312, %dma_start3A_313] : memref<1000x64xf32, #tpu.memory_space<hbm>> -> memref<1000x64xf32, #tpu.memory_space<hbm>>
        tpu.enqueue_indirect_dma source(%dma_start3A_314 : memref<1000x64xf32, #tpu.memory_space<hbm>>) target(%arg10 : memref<128x64xf32, #tpu.memory_space<vmem>>) offsets(%dma_start3A_311 : memref<128xi32, #tpu.memory_space<vmem>>) semaphore(%arg18 : memref<!tpu.dma_semaphore, #tpu.memory_space<semaphore_mem>>)
      } else {
      }
      %mul3A_129 = arith.constant 8 : i32
      %mul3A_130 = arith.muli %scan3A_105, %mul3A_129 : i32
      %add3A_131 = arith.constant 1 : i32
      %add3A_132 = arith.addi %mul3A_130, %add3A_131 : i32
      %dma_wait3A_133 = arith.constant 0 : i32
      %dma_wait3A_134 = arith.constant 0 : i32
      %dma_wait3A_135 = tpu.memref_slice %arg2[%dma_wait3A_133, %dma_wait3A_134] : memref<1000x64xf32, #tpu.memory_space<hbm>> -> memref<128x64xf32, #tpu.memory_space<hbm>>
      %dma_wait3A_136 = arith.constant 0 : i32
      %dma_wait3A_137 = arith.constant 0 : i32
      %dma_wait3A_138 = tpu.memref_slice %arg2[%dma_wait3A_136, %dma_wait3A_137] : memref<1000x64xf32, #tpu.memory_space<hbm>> -> memref<128x64xf32, #tpu.memory_space<hbm>>
      tpu.wait_dma2 semaphore(%arg15 : memref<!tpu.dma_semaphore, #tpu.memory_space<semaphore_mem>>) src(%dma_wait3A_138 : memref<128x64xf32, #tpu.memory_space<hbm>>) dst(%arg7 : memref<128x64xf32, #tpu.memory_space<vmem>>)
      %dma_start3A_139 = arith.constant 0 : i32
      %dma_start3A_140 = arith.constant 0 : i32
      %dma_start3A_141 = tpu.memref_slice %arg4[%add3A, %add3A_132, %dma_start3A_139, %dma_start3A_140] : memref<32x200x128x64xf32, #tpu.memory_space<hbm>> -> memref<1x1x128x64xf32, #tpu.memory_space<hbm>>
      %dma_start3A_142 = tpu.memref_squeeze %dma_start3A_141 : memref<1x1x128x64xf32, #tpu.memory_space<hbm>> -> memref<128x64xf32, #tpu.memory_space<hbm>>
      %dma_start3A_143 = arith.constant 0 : i32
      %dma_start3A_144 = arith.constant 0 : i32
      %dma_start3A_145 = tpu.memref_slice %arg4[%add3A, %add3A_132, %dma_start3A_143, %dma_start3A_144] : memref<32x200x128x64xf32, #tpu.memory_space<hbm>> -> memref<1x1x128x64xf32, #tpu.memory_space<hbm>>
      %dma_start3A_146 = tpu.memref_squeeze %dma_start3A_145 : memref<1x1x128x64xf32, #tpu.memory_space<hbm>> -> memref<128x64xf32, #tpu.memory_space<hbm>>
      tpu.enqueue_dma source(%arg7 : memref<128x64xf32, #tpu.memory_space<vmem>>) target(%dma_start3A_146 : memref<128x64xf32, #tpu.memory_space<hbm>>) target_semaphore(%arg23 : memref<!tpu.dma_semaphore, #tpu.memory_space<semaphore_mem>>)
      %add3A_147 = arith.constant 4 : i32
      %add3A_148 = arith.addi %add3A_132, %add3A_147 : i32
      %lt3A_149 = arith.constant 200 : i32
      %lt3A_150 = arith.cmpi slt, %add3A_148, %lt3A_149 : i32
      %convert_element_type3A_151 = arith.extui %lt3A_150 : i1 to i32
      %cond3A_152 = arith.constant 0 : i32
      %cond3A_153 = arith.cmpi ne, %convert_element_type3A_151, %cond3A_152 : i32
      scf.if %cond3A_153 {
        %ge3A = arith.constant 4 : i32
        %ge3A_305 = arith.cmpi sge, %add3A_132, %ge3A : i32
        %convert_element_type3A_306 = arith.extui %ge3A_305 : i1 to i32
        %cond3A_307 = arith.constant 0 : i32
        %cond3A_308 = arith.cmpi ne, %convert_element_type3A_306, %cond3A_307 : i32
        scf.if %cond3A_308 {
          %dma_wait3A_315 = arith.constant 0 : i32
          %dma_wait3A_316 = arith.constant 0 : i32
          %dma_wait3A_317 = arith.constant 0 : i32
          %dma_wait3A_318 = tpu.memref_slice %arg4[%add3A, %dma_wait3A_315, %dma_wait3A_316, %dma_wait3A_317] : memref<32x200x128x64xf32, #tpu.memory_space<hbm>> -> memref<1x1x128x64xf32, #tpu.memory_space<hbm>>
          %dma_wait3A_319 = tpu.memref_squeeze %dma_wait3A_318 : memref<1x1x128x64xf32, #tpu.memory_space<hbm>> -> memref<128x64xf32, #tpu.memory_space<hbm>>
          %dma_wait3A_320 = arith.constant 0 : i32
          %dma_wait3A_321 = arith.constant 0 : i32
          %dma_wait3A_322 = tpu.memref_slice %arg4[%add3A, %dma_wait3A_315, %dma_wait3A_320, %dma_wait3A_321] : memref<32x200x128x64xf32, #tpu.memory_space<hbm>> -> memref<1x1x128x64xf32, #tpu.memory_space<hbm>>
          %dma_wait3A_323 = tpu.memref_squeeze %dma_wait3A_322 : memref<1x1x128x64xf32, #tpu.memory_space<hbm>> -> memref<128x64xf32, #tpu.memory_space<hbm>>
          tpu.wait_dma2 semaphore(%arg27 : memref<!tpu.dma_semaphore, #tpu.memory_space<semaphore_mem>>) src(%arg11 : memref<128x64xf32, #tpu.memory_space<vmem>>) dst(%dma_wait3A_323 : memref<128x64xf32, #tpu.memory_space<hbm>>)
        } else {
        }
        %dma_start3A_309 = arith.constant 0 : i32
        %dma_start3A_310 = tpu.memref_slice %arg5[%add3A_148, %dma_start3A_309] : memref<200x128xi32, #tpu.memory_space<vmem>> -> memref<1x128xi32, #tpu.memory_space<vmem>>
        %dma_start3A_311 = tpu.memref_squeeze %dma_start3A_310 : memref<1x128xi32, #tpu.memory_space<vmem>> -> memref<128xi32, #tpu.memory_space<vmem>>
        %dma_start3A_312 = arith.constant 0 : i32
        %dma_start3A_313 = arith.constant 0 : i32
        %dma_start3A_314 = tpu.memref_slice %arg2[%dma_start3A_312, %dma_start3A_313] : memref<1000x64xf32, #tpu.memory_space<hbm>> -> memref<1000x64xf32, #tpu.memory_space<hbm>>
        tpu.enqueue_indirect_dma source(%dma_start3A_314 : memref<1000x64xf32, #tpu.memory_space<hbm>>) target(%arg11 : memref<128x64xf32, #tpu.memory_space<vmem>>) offsets(%dma_start3A_311 : memref<128xi32, #tpu.memory_space<vmem>>) semaphore(%arg19 : memref<!tpu.dma_semaphore, #tpu.memory_space<semaphore_mem>>)
      } else {
      }
      %mul3A_154 = arith.constant 8 : i32
      %mul3A_155 = arith.muli %scan3A_105, %mul3A_154 : i32
      %add3A_156 = arith.constant 2 : i32
      %add3A_157 = arith.addi %mul3A_155, %add3A_156 : i32
      %dma_wait3A_158 = arith.constant 0 : i32
      %dma_wait3A_159 = arith.constant 0 : i32
      %dma_wait3A_160 = tpu.memref_slice %arg2[%dma_wait3A_158, %dma_wait3A_159] : memref<1000x64xf32, #tpu.memory_space<hbm>> -> memref<128x64xf32, #tpu.memory_space<hbm>>
      %dma_wait3A_161 = arith.constant 0 : i32
      %dma_wait3A_162 = arith.constant 0 : i32
      %dma_wait3A_163 = tpu.memref_slice %arg2[%dma_wait3A_161, %dma_wait3A_162] : memref<1000x64xf32, #tpu.memory_space<hbm>> -> memref<128x64xf32, #tpu.memory_space<hbm>>
      tpu.wait_dma2 semaphore(%arg16 : memref<!tpu.dma_semaphore, #tpu.memory_space<semaphore_mem>>) src(%dma_wait3A_163 : memref<128x64xf32, #tpu.memory_space<hbm>>) dst(%arg8 : memref<128x64xf32, #tpu.memory_space<vmem>>)
      %dma_start3A_164 = arith.constant 0 : i32
      %dma_start3A_165 = arith.constant 0 : i32
      %dma_start3A_166 = tpu.memref_slice %arg4[%add3A, %add3A_157, %dma_start3A_164, %dma_start3A_165] : memref<32x200x128x64xf32, #tpu.memory_space<hbm>> -> memref<1x1x128x64xf32, #tpu.memory_space<hbm>>
      %dma_start3A_167 = tpu.memref_squeeze %dma_start3A_166 : memref<1x1x128x64xf32, #tpu.memory_space<hbm>> -> memref<128x64xf32, #tpu.memory_space<hbm>>
      %dma_start3A_168 = arith.constant 0 : i32
      %dma_start3A_169 = arith.constant 0 : i32
      %dma_start3A_170 = tpu.memref_slice %arg4[%add3A, %add3A_157, %dma_start3A_168, %dma_start3A_169] : memref<32x200x128x64xf32, #tpu.memory_space<hbm>> -> memref<1x1x128x64xf32, #tpu.memory_space<hbm>>
      %dma_start3A_171 = tpu.memref_squeeze %dma_start3A_170 : memref<1x1x128x64xf32, #tpu.memory_space<hbm>> -> memref<128x64xf32, #tpu.memory_space<hbm>>
      tpu.enqueue_dma source(%arg8 : memref<128x64xf32, #tpu.memory_space<vmem>>) target(%dma_start3A_171 : memref<128x64xf32, #tpu.memory_space<hbm>>) target_semaphore(%arg24 : memref<!tpu.dma_semaphore, #tpu.memory_space<semaphore_mem>>)
      %add3A_172 = arith.constant 4 : i32
      %add3A_173 = arith.addi %add3A_157, %add3A_172 : i32
      %lt3A_174 = arith.constant 200 : i32
      %lt3A_175 = arith.cmpi slt, %add3A_173, %lt3A_174 : i32
      %convert_element_type3A_176 = arith.extui %lt3A_175 : i1 to i32
      %cond3A_177 = arith.constant 0 : i32
      %cond3A_178 = arith.cmpi ne, %convert_element_type3A_176, %cond3A_177 : i32
      scf.if %cond3A_178 {
        %ge3A = arith.constant 4 : i32
        %ge3A_305 = arith.cmpi sge, %add3A_157, %ge3A : i32
        %convert_element_type3A_306 = arith.extui %ge3A_305 : i1 to i32
        %cond3A_307 = arith.constant 0 : i32
        %cond3A_308 = arith.cmpi ne, %convert_element_type3A_306, %cond3A_307 : i32
        scf.if %cond3A_308 {
          %dma_wait3A_315 = arith.constant 0 : i32
          %dma_wait3A_316 = arith.constant 0 : i32
          %dma_wait3A_317 = arith.constant 0 : i32
          %dma_wait3A_318 = tpu.memref_slice %arg4[%add3A, %dma_wait3A_315, %dma_wait3A_316, %dma_wait3A_317] : memref<32x200x128x64xf32, #tpu.memory_space<hbm>> -> memref<1x1x128x64xf32, #tpu.memory_space<hbm>>
          %dma_wait3A_319 = tpu.memref_squeeze %dma_wait3A_318 : memref<1x1x128x64xf32, #tpu.memory_space<hbm>> -> memref<128x64xf32, #tpu.memory_space<hbm>>
          %dma_wait3A_320 = arith.constant 0 : i32
          %dma_wait3A_321 = arith.constant 0 : i32
          %dma_wait3A_322 = tpu.memref_slice %arg4[%add3A, %dma_wait3A_315, %dma_wait3A_320, %dma_wait3A_321] : memref<32x200x128x64xf32, #tpu.memory_space<hbm>> -> memref<1x1x128x64xf32, #tpu.memory_space<hbm>>
          %dma_wait3A_323 = tpu.memref_squeeze %dma_wait3A_322 : memref<1x1x128x64xf32, #tpu.memory_space<hbm>> -> memref<128x64xf32, #tpu.memory_space<hbm>>
          tpu.wait_dma2 semaphore(%arg28 : memref<!tpu.dma_semaphore, #tpu.memory_space<semaphore_mem>>) src(%arg12 : memref<128x64xf32, #tpu.memory_space<vmem>>) dst(%dma_wait3A_323 : memref<128x64xf32, #tpu.memory_space<hbm>>)
        } else {
        }
        %dma_start3A_309 = arith.constant 0 : i32
        %dma_start3A_310 = tpu.memref_slice %arg5[%add3A_173, %dma_start3A_309] : memref<200x128xi32, #tpu.memory_space<vmem>> -> memref<1x128xi32, #tpu.memory_space<vmem>>
        %dma_start3A_311 = tpu.memref_squeeze %dma_start3A_310 : memref<1x128xi32, #tpu.memory_space<vmem>> -> memref<128xi32, #tpu.memory_space<vmem>>
        %dma_start3A_312 = arith.constant 0 : i32
        %dma_start3A_313 = arith.constant 0 : i32
        %dma_start3A_314 = tpu.memref_slice %arg2[%dma_start3A_312, %dma_start3A_313] : memref<1000x64xf32, #tpu.memory_space<hbm>> -> memref<1000x64xf32, #tpu.memory_space<hbm>>
        tpu.enqueue_indirect_dma source(%dma_start3A_314 : memref<1000x64xf32, #tpu.memory_space<hbm>>) target(%arg12 : memref<128x64xf32, #tpu.memory_space<vmem>>) offsets(%dma_start3A_311 : memref<128xi32, #tpu.memory_space<vmem>>) semaphore(%arg20 : memref<!tpu.dma_semaphore, #tpu.memory_space<semaphore_mem>>)
      } else {
      }
      %mul3A_179 = arith.constant 8 : i32
      %mul3A_180 = arith.muli %scan3A_105, %mul3A_179 : i32
      %add3A_181 = arith.constant 3 : i32
      %add3A_182 = arith.addi %mul3A_180, %add3A_181 : i32
      %dma_wait3A_183 = arith.constant 0 : i32
      %dma_wait3A_184 = arith.constant 0 : i32
      %dma_wait3A_185 = tpu.memref_slice %arg2[%dma_wait3A_183, %dma_wait3A_184] : memref<1000x64xf32, #tpu.memory_space<hbm>> -> memref<128x64xf32, #tpu.memory_space<hbm>>
      %dma_wait3A_186 = arith.constant 0 : i32
      %dma_wait3A_187 = arith.constant 0 : i32
      %dma_wait3A_188 = tpu.memref_slice %arg2[%dma_wait3A_186, %dma_wait3A_187] : memref<1000x64xf32, #tpu.memory_space<hbm>> -> memref<128x64xf32, #tpu.memory_space<hbm>>
      tpu.wait_dma2 semaphore(%arg17 : memref<!tpu.dma_semaphore, #tpu.memory_space<semaphore_mem>>) src(%dma_wait3A_188 : memref<128x64xf32, #tpu.memory_space<hbm>>) dst(%arg9 : memref<128x64xf32, #tpu.memory_space<vmem>>)
      %dma_start3A_189 = arith.constant 0 : i32
      %dma_start3A_190 = arith.constant 0 : i32
      %dma_start3A_191 = tpu.memref_slice %arg4[%add3A, %add3A_182, %dma_start3A_189, %dma_start3A_190] : memref<32x200x128x64xf32, #tpu.memory_space<hbm>> -> memref<1x1x128x64xf32, #tpu.memory_space<hbm>>
      %dma_start3A_192 = tpu.memref_squeeze %dma_start3A_191 : memref<1x1x128x64xf32, #tpu.memory_space<hbm>> -> memref<128x64xf32, #tpu.memory_space<hbm>>
      %dma_start3A_193 = arith.constant 0 : i32
      %dma_start3A_194 = arith.constant 0 : i32
      %dma_start3A_195 = tpu.memref_slice %arg4[%add3A, %add3A_182, %dma_start3A_193, %dma_start3A_194] : memref<32x200x128x64xf32, #tpu.memory_space<hbm>> -> memref<1x1x128x64xf32, #tpu.memory_space<hbm>>
      %dma_start3A_196 = tpu.memref_squeeze %dma_start3A_195 : memref<1x1x128x64xf32, #tpu.memory_space<hbm>> -> memref<128x64xf32, #tpu.memory_space<hbm>>
      tpu.enqueue_dma source(%arg9 : memref<128x64xf32, #tpu.memory_space<vmem>>) target(%dma_start3A_196 : memref<128x64xf32, #tpu.memory_space<hbm>>) target_semaphore(%arg25 : memref<!tpu.dma_semaphore, #tpu.memory_space<semaphore_mem>>)
      %add3A_197 = arith.constant 4 : i32
      %add3A_198 = arith.addi %add3A_182, %add3A_197 : i32
      %lt3A_199 = arith.constant 200 : i32
      %lt3A_200 = arith.cmpi slt, %add3A_198, %lt3A_199 : i32
      %convert_element_type3A_201 = arith.extui %lt3A_200 : i1 to i32
      %cond3A_202 = arith.constant 0 : i32
      %cond3A_203 = arith.cmpi ne, %convert_element_type3A_201, %cond3A_202 : i32
      scf.if %cond3A_203 {
        %ge3A = arith.constant 4 : i32
        %ge3A_305 = arith.cmpi sge, %add3A_182, %ge3A : i32
        %convert_element_type3A_306 = arith.extui %ge3A_305 : i1 to i32
        %cond3A_307 = arith.constant 0 : i32
        %cond3A_308 = arith.cmpi ne, %convert_element_type3A_306, %cond3A_307 : i32
        scf.if %cond3A_308 {
          %dma_wait3A_315 = arith.constant 0 : i32
          %dma_wait3A_316 = arith.constant 0 : i32
          %dma_wait3A_317 = arith.constant 0 : i32
          %dma_wait3A_318 = tpu.memref_slice %arg4[%add3A, %dma_wait3A_315, %dma_wait3A_316, %dma_wait3A_317] : memref<32x200x128x64xf32, #tpu.memory_space<hbm>> -> memref<1x1x128x64xf32, #tpu.memory_space<hbm>>
          %dma_wait3A_319 = tpu.memref_squeeze %dma_wait3A_318 : memref<1x1x128x64xf32, #tpu.memory_space<hbm>> -> memref<128x64xf32, #tpu.memory_space<hbm>>
          %dma_wait3A_320 = arith.constant 0 : i32
          %dma_wait3A_321 = arith.constant 0 : i32
          %dma_wait3A_322 = tpu.memref_slice %arg4[%add3A, %dma_wait3A_315, %dma_wait3A_320, %dma_wait3A_321] : memref<32x200x128x64xf32, #tpu.memory_space<hbm>> -> memref<1x1x128x64xf32, #tpu.memory_space<hbm>>
          %dma_wait3A_323 = tpu.memref_squeeze %dma_wait3A_322 : memref<1x1x128x64xf32, #tpu.memory_space<hbm>> -> memref<128x64xf32, #tpu.memory_space<hbm>>
          tpu.wait_dma2 semaphore(%arg29 : memref<!tpu.dma_semaphore, #tpu.memory_space<semaphore_mem>>) src(%arg13 : memref<128x64xf32, #tpu.memory_space<vmem>>) dst(%dma_wait3A_323 : memref<128x64xf32, #tpu.memory_space<hbm>>)
        } else {
        }
        %dma_start3A_309 = arith.constant 0 : i32
        %dma_start3A_310 = tpu.memref_slice %arg5[%add3A_198, %dma_start3A_309] : memref<200x128xi32, #tpu.memory_space<vmem>> -> memref<1x128xi32, #tpu.memory_space<vmem>>
        %dma_start3A_311 = tpu.memref_squeeze %dma_start3A_310 : memref<1x128xi32, #tpu.memory_space<vmem>> -> memref<128xi32, #tpu.memory_space<vmem>>
        %dma_start3A_312 = arith.constant 0 : i32
        %dma_start3A_313 = arith.constant 0 : i32
        %dma_start3A_314 = tpu.memref_slice %arg2[%dma_start3A_312, %dma_start3A_313] : memref<1000x64xf32, #tpu.memory_space<hbm>> -> memref<1000x64xf32, #tpu.memory_space<hbm>>
        tpu.enqueue_indirect_dma source(%dma_start3A_314 : memref<1000x64xf32, #tpu.memory_space<hbm>>) target(%arg13 : memref<128x64xf32, #tpu.memory_space<vmem>>) offsets(%dma_start3A_311 : memref<128xi32, #tpu.memory_space<vmem>>) semaphore(%arg21 : memref<!tpu.dma_semaphore, #tpu.memory_space<semaphore_mem>>)
      } else {
      }
      %mul3A_204 = arith.constant 8 : i32
      %mul3A_205 = arith.muli %scan3A_105, %mul3A_204 : i32
      %add3A_206 = arith.constant 4 : i32
      %add3A_207 = arith.addi %mul3A_205, %add3A_206 : i32
      %dma_wait3A_208 = arith.constant 0 : i32
      %dma_wait3A_209 = arith.constant 0 : i32
      %dma_wait3A_210 = tpu.memref_slice %arg2[%dma_wait3A_208, %dma_wait3A_209] : memref<1000x64xf32, #tpu.memory_space<hbm>> -> memref<128x64xf32, #tpu.memory_space<hbm>>
      %dma_wait3A_211 = arith.constant 0 : i32
      %dma_wait3A_212 = arith.constant 0 : i32
      %dma_wait3A_213 = tpu.memref_slice %arg2[%dma_wait3A_211, %dma_wait3A_212] : memref<1000x64xf32, #tpu.memory_space<hbm>> -> memref<128x64xf32, #tpu.memory_space<hbm>>
      tpu.wait_dma2 semaphore(%arg18 : memref<!tpu.dma_semaphore, #tpu.memory_space<semaphore_mem>>) src(%dma_wait3A_213 : memref<128x64xf32, #tpu.memory_space<hbm>>) dst(%arg10 : memref<128x64xf32, #tpu.memory_space<vmem>>)
      %dma_start3A_214 = arith.constant 0 : i32
      %dma_start3A_215 = arith.constant 0 : i32
      %dma_start3A_216 = tpu.memref_slice %arg4[%add3A, %add3A_207, %dma_start3A_214, %dma_start3A_215] : memref<32x200x128x64xf32, #tpu.memory_space<hbm>> -> memref<1x1x128x64xf32, #tpu.memory_space<hbm>>
      %dma_start3A_217 = tpu.memref_squeeze %dma_start3A_216 : memref<1x1x128x64xf32, #tpu.memory_space<hbm>> -> memref<128x64xf32, #tpu.memory_space<hbm>>
      %dma_start3A_218 = arith.constant 0 : i32
      %dma_start3A_219 = arith.constant 0 : i32
      %dma_start3A_220 = tpu.memref_slice %arg4[%add3A, %add3A_207, %dma_start3A_218, %dma_start3A_219] : memref<32x200x128x64xf32, #tpu.memory_space<hbm>> -> memref<1x1x128x64xf32, #tpu.memory_space<hbm>>
      %dma_start3A_221 = tpu.memref_squeeze %dma_start3A_220 : memref<1x1x128x64xf32, #tpu.memory_space<hbm>> -> memref<128x64xf32, #tpu.memory_space<hbm>>
      tpu.enqueue_dma source(%arg10 : memref<128x64xf32, #tpu.memory_space<vmem>>) target(%dma_start3A_221 : memref<128x64xf32, #tpu.memory_space<hbm>>) target_semaphore(%arg26 : memref<!tpu.dma_semaphore, #tpu.memory_space<semaphore_mem>>)
      %add3A_222 = arith.constant 4 : i32
      %add3A_223 = arith.addi %add3A_207, %add3A_222 : i32
      %lt3A_224 = arith.constant 200 : i32
      %lt3A_225 = arith.cmpi slt, %add3A_223, %lt3A_224 : i32
      %convert_element_type3A_226 = arith.extui %lt3A_225 : i1 to i32
      %cond3A_227 = arith.constant 0 : i32
      %cond3A_228 = arith.cmpi ne, %convert_element_type3A_226, %cond3A_227 : i32
      scf.if %cond3A_228 {
        %ge3A = arith.constant 4 : i32
        %ge3A_305 = arith.cmpi sge, %add3A_207, %ge3A : i32
        %convert_element_type3A_306 = arith.extui %ge3A_305 : i1 to i32
        %cond3A_307 = arith.constant 0 : i32
        %cond3A_308 = arith.cmpi ne, %convert_element_type3A_306, %cond3A_307 : i32
        scf.if %cond3A_308 {
          %dma_wait3A_315 = arith.constant 0 : i32
          %dma_wait3A_316 = arith.constant 0 : i32
          %dma_wait3A_317 = arith.constant 0 : i32
          %dma_wait3A_318 = tpu.memref_slice %arg4[%add3A, %dma_wait3A_315, %dma_wait3A_316, %dma_wait3A_317] : memref<32x200x128x64xf32, #tpu.memory_space<hbm>> -> memref<1x1x128x64xf32, #tpu.memory_space<hbm>>
          %dma_wait3A_319 = tpu.memref_squeeze %dma_wait3A_318 : memref<1x1x128x64xf32, #tpu.memory_space<hbm>> -> memref<128x64xf32, #tpu.memory_space<hbm>>
          %dma_wait3A_320 = arith.constant 0 : i32
          %dma_wait3A_321 = arith.constant 0 : i32
          %dma_wait3A_322 = tpu.memref_slice %arg4[%add3A, %dma_wait3A_315, %dma_wait3A_320, %dma_wait3A_321] : memref<32x200x128x64xf32, #tpu.memory_space<hbm>> -> memref<1x1x128x64xf32, #tpu.memory_space<hbm>>
          %dma_wait3A_323 = tpu.memref_squeeze %dma_wait3A_322 : memref<1x1x128x64xf32, #tpu.memory_space<hbm>> -> memref<128x64xf32, #tpu.memory_space<hbm>>
          tpu.wait_dma2 semaphore(%arg22 : memref<!tpu.dma_semaphore, #tpu.memory_space<semaphore_mem>>) src(%arg6 : memref<128x64xf32, #tpu.memory_space<vmem>>) dst(%dma_wait3A_323 : memref<128x64xf32, #tpu.memory_space<hbm>>)
        } else {
        }
        %dma_start3A_309 = arith.constant 0 : i32
        %dma_start3A_310 = tpu.memref_slice %arg5[%add3A_223, %dma_start3A_309] : memref<200x128xi32, #tpu.memory_space<vmem>> -> memref<1x128xi32, #tpu.memory_space<vmem>>
        %dma_start3A_311 = tpu.memref_squeeze %dma_start3A_310 : memref<1x128xi32, #tpu.memory_space<vmem>> -> memref<128xi32, #tpu.memory_space<vmem>>
        %dma_start3A_312 = arith.constant 0 : i32
        %dma_start3A_313 = arith.constant 0 : i32
        %dma_start3A_314 = tpu.memref_slice %arg2[%dma_start3A_312, %dma_start3A_313] : memref<1000x64xf32, #tpu.memory_space<hbm>> -> memref<1000x64xf32, #tpu.memory_space<hbm>>
        tpu.enqueue_indirect_dma source(%dma_start3A_314 : memref<1000x64xf32, #tpu.memory_space<hbm>>) target(%arg6 : memref<128x64xf32, #tpu.memory_space<vmem>>) offsets(%dma_start3A_311 : memref<128xi32, #tpu.memory_space<vmem>>) semaphore(%arg14 : memref<!tpu.dma_semaphore, #tpu.memory_space<semaphore_mem>>)
      } else {
      }
      %mul3A_229 = arith.constant 8 : i32
      %mul3A_230 = arith.muli %scan3A_105, %mul3A_229 : i32
      %add3A_231 = arith.constant 5 : i32
      %add3A_232 = arith.addi %mul3A_230, %add3A_231 : i32
      %dma_wait3A_233 = arith.constant 0 : i32
      %dma_wait3A_234 = arith.constant 0 : i32
      %dma_wait3A_235 = tpu.memref_slice %arg2[%dma_wait3A_233, %dma_wait3A_234] : memref<1000x64xf32, #tpu.memory_space<hbm>> -> memref<128x64xf32, #tpu.memory_space<hbm>>
      %dma_wait3A_236 = arith.constant 0 : i32
      %dma_wait3A_237 = arith.constant 0 : i32
      %dma_wait3A_238 = tpu.memref_slice %arg2[%dma_wait3A_236, %dma_wait3A_237] : memref<1000x64xf32, #tpu.memory_space<hbm>> -> memref<128x64xf32, #tpu.memory_space<hbm>>
      tpu.wait_dma2 semaphore(%arg19 : memref<!tpu.dma_semaphore, #tpu.memory_space<semaphore_mem>>) src(%dma_wait3A_238 : memref<128x64xf32, #tpu.memory_space<hbm>>) dst(%arg11 : memref<128x64xf32, #tpu.memory_space<vmem>>)
      %dma_start3A_239 = arith.constant 0 : i32
      %dma_start3A_240 = arith.constant 0 : i32
      %dma_start3A_241 = tpu.memref_slice %arg4[%add3A, %add3A_232, %dma_start3A_239, %dma_start3A_240] : memref<32x200x128x64xf32, #tpu.memory_space<hbm>> -> memref<1x1x128x64xf32, #tpu.memory_space<hbm>>
      %dma_start3A_242 = tpu.memref_squeeze %dma_start3A_241 : memref<1x1x128x64xf32, #tpu.memory_space<hbm>> -> memref<128x64xf32, #tpu.memory_space<hbm>>
      %dma_start3A_243 = arith.constant 0 : i32
      %dma_start3A_244 = arith.constant 0 : i32
      %dma_start3A_245 = tpu.memref_slice %arg4[%add3A, %add3A_232, %dma_start3A_243, %dma_start3A_244] : memref<32x200x128x64xf32, #tpu.memory_space<hbm>> -> memref<1x1x128x64xf32, #tpu.memory_space<hbm>>
      %dma_start3A_246 = tpu.memref_squeeze %dma_start3A_245 : memref<1x1x128x64xf32, #tpu.memory_space<hbm>> -> memref<128x64xf32, #tpu.memory_space<hbm>>
      tpu.enqueue_dma source(%arg11 : memref<128x64xf32, #tpu.memory_space<vmem>>) target(%dma_start3A_246 : memref<128x64xf32, #tpu.memory_space<hbm>>) target_semaphore(%arg27 : memref<!tpu.dma_semaphore, #tpu.memory_space<semaphore_mem>>)
      %add3A_247 = arith.constant 4 : i32
      %add3A_248 = arith.addi %add3A_232, %add3A_247 : i32
      %lt3A_249 = arith.constant 200 : i32
      %lt3A_250 = arith.cmpi slt, %add3A_248, %lt3A_249 : i32
      %convert_element_type3A_251 = arith.extui %lt3A_250 : i1 to i32
      %cond3A_252 = arith.constant 0 : i32
      %cond3A_253 = arith.cmpi ne, %convert_element_type3A_251, %cond3A_252 : i32
      scf.if %cond3A_253 {
        %ge3A = arith.constant 4 : i32
        %ge3A_305 = arith.cmpi sge, %add3A_232, %ge3A : i32
        %convert_element_type3A_306 = arith.extui %ge3A_305 : i1 to i32
        %cond3A_307 = arith.constant 0 : i32
        %cond3A_308 = arith.cmpi ne, %convert_element_type3A_306, %cond3A_307 : i32
        scf.if %cond3A_308 {
          %dma_wait3A_315 = arith.constant 0 : i32
          %dma_wait3A_316 = arith.constant 0 : i32
          %dma_wait3A_317 = arith.constant 0 : i32
          %dma_wait3A_318 = tpu.memref_slice %arg4[%add3A, %dma_wait3A_315, %dma_wait3A_316, %dma_wait3A_317] : memref<32x200x128x64xf32, #tpu.memory_space<hbm>> -> memref<1x1x128x64xf32, #tpu.memory_space<hbm>>
          %dma_wait3A_319 = tpu.memref_squeeze %dma_wait3A_318 : memref<1x1x128x64xf32, #tpu.memory_space<hbm>> -> memref<128x64xf32, #tpu.memory_space<hbm>>
          %dma_wait3A_320 = arith.constant 0 : i32
          %dma_wait3A_321 = arith.constant 0 : i32
          %dma_wait3A_322 = tpu.memref_slice %arg4[%add3A, %dma_wait3A_315, %dma_wait3A_320, %dma_wait3A_321] : memref<32x200x128x64xf32, #tpu.memory_space<hbm>> -> memref<1x1x128x64xf32, #tpu.memory_space<hbm>>
          %dma_wait3A_323 = tpu.memref_squeeze %dma_wait3A_322 : memref<1x1x128x64xf32, #tpu.memory_space<hbm>> -> memref<128x64xf32, #tpu.memory_space<hbm>>
          tpu.wait_dma2 semaphore(%arg23 : memref<!tpu.dma_semaphore, #tpu.memory_space<semaphore_mem>>) src(%arg7 : memref<128x64xf32, #tpu.memory_space<vmem>>) dst(%dma_wait3A_323 : memref<128x64xf32, #tpu.memory_space<hbm>>)
        } else {
        }
        %dma_start3A_309 = arith.constant 0 : i32
        %dma_start3A_310 = tpu.memref_slice %arg5[%add3A_248, %dma_start3A_309] : memref<200x128xi32, #tpu.memory_space<vmem>> -> memref<1x128xi32, #tpu.memory_space<vmem>>
        %dma_start3A_311 = tpu.memref_squeeze %dma_start3A_310 : memref<1x128xi32, #tpu.memory_space<vmem>> -> memref<128xi32, #tpu.memory_space<vmem>>
        %dma_start3A_312 = arith.constant 0 : i32
        %dma_start3A_313 = arith.constant 0 : i32
        %dma_start3A_314 = tpu.memref_slice %arg2[%dma_start3A_312, %dma_start3A_313] : memref<1000x64xf32, #tpu.memory_space<hbm>> -> memref<1000x64xf32, #tpu.memory_space<hbm>>
        tpu.enqueue_indirect_dma source(%dma_start3A_314 : memref<1000x64xf32, #tpu.memory_space<hbm>>) target(%arg7 : memref<128x64xf32, #tpu.memory_space<vmem>>) offsets(%dma_start3A_311 : memref<128xi32, #tpu.memory_space<vmem>>) semaphore(%arg15 : memref<!tpu.dma_semaphore, #tpu.memory_space<semaphore_mem>>)
      } else {
      }
      %mul3A_254 = arith.constant 8 : i32
      %mul3A_255 = arith.muli %scan3A_105, %mul3A_254 : i32
      %add3A_256 = arith.constant 6 : i32
      %add3A_257 = arith.addi %mul3A_255, %add3A_256 : i32
      %dma_wait3A_258 = arith.constant 0 : i32
      %dma_wait3A_259 = arith.constant 0 : i32
      %dma_wait3A_260 = tpu.memref_slice %arg2[%dma_wait3A_258, %dma_wait3A_259] : memref<1000x64xf32, #tpu.memory_space<hbm>> -> memref<128x64xf32, #tpu.memory_space<hbm>>
      %dma_wait3A_261 = arith.constant 0 : i32
      %dma_wait3A_262 = arith.constant 0 : i32
      %dma_wait3A_263 = tpu.memref_slice %arg2[%dma_wait3A_261, %dma_wait3A_262] : memref<1000x64xf32, #tpu.memory_space<hbm>> -> memref<128x64xf32, #tpu.memory_space<hbm>>
      tpu.wait_dma2 semaphore(%arg20 : memref<!tpu.dma_semaphore, #tpu.memory_space<semaphore_mem>>) src(%dma_wait3A_263 : memref<128x64xf32, #tpu.memory_space<hbm>>) dst(%arg12 : memref<128x64xf32, #tpu.memory_space<vmem>>)
      %dma_start3A_264 = arith.constant 0 : i32
      %dma_start3A_265 = arith.constant 0 : i32
      %dma_start3A_266 = tpu.memref_slice %arg4[%add3A, %add3A_257, %dma_start3A_264, %dma_start3A_265] : memref<32x200x128x64xf32, #tpu.memory_space<hbm>> -> memref<1x1x128x64xf32, #tpu.memory_space<hbm>>
      %dma_start3A_267 = tpu.memref_squeeze %dma_start3A_266 : memref<1x1x128x64xf32, #tpu.memory_space<hbm>> -> memref<128x64xf32, #tpu.memory_space<hbm>>
      %dma_start3A_268 = arith.constant 0 : i32
      %dma_start3A_269 = arith.constant 0 : i32
      %dma_start3A_270 = tpu.memref_slice %arg4[%add3A, %add3A_257, %dma_start3A_268, %dma_start3A_269] : memref<32x200x128x64xf32, #tpu.memory_space<hbm>> -> memref<1x1x128x64xf32, #tpu.memory_space<hbm>>
      %dma_start3A_271 = tpu.memref_squeeze %dma_start3A_270 : memref<1x1x128x64xf32, #tpu.memory_space<hbm>> -> memref<128x64xf32, #tpu.memory_space<hbm>>
      tpu.enqueue_dma source(%arg12 : memref<128x64xf32, #tpu.memory_space<vmem>>) target(%dma_start3A_271 : memref<128x64xf32, #tpu.memory_space<hbm>>) target_semaphore(%arg28 : memref<!tpu.dma_semaphore, #tpu.memory_space<semaphore_mem>>)
      %add3A_272 = arith.constant 4 : i32
      %add3A_273 = arith.addi %add3A_257, %add3A_272 : i32
      %lt3A_274 = arith.constant 200 : i32
      %lt3A_275 = arith.cmpi slt, %add3A_273, %lt3A_274 : i32
      %convert_element_type3A_276 = arith.extui %lt3A_275 : i1 to i32
      %cond3A_277 = arith.constant 0 : i32
      %cond3A_278 = arith.cmpi ne, %convert_element_type3A_276, %cond3A_277 : i32
      scf.if %cond3A_278 {
        %ge3A = arith.constant 4 : i32
        %ge3A_305 = arith.cmpi sge, %add3A_257, %ge3A : i32
        %convert_element_type3A_306 = arith.extui %ge3A_305 : i1 to i32
        %cond3A_307 = arith.constant 0 : i32
        %cond3A_308 = arith.cmpi ne, %convert_element_type3A_306, %cond3A_307 : i32
        scf.if %cond3A_308 {
          %dma_wait3A_315 = arith.constant 0 : i32
          %dma_wait3A_316 = arith.constant 0 : i32
          %dma_wait3A_317 = arith.constant 0 : i32
          %dma_wait3A_318 = tpu.memref_slice %arg4[%add3A, %dma_wait3A_315, %dma_wait3A_316, %dma_wait3A_317] : memref<32x200x128x64xf32, #tpu.memory_space<hbm>> -> memref<1x1x128x64xf32, #tpu.memory_space<hbm>>
          %dma_wait3A_319 = tpu.memref_squeeze %dma_wait3A_318 : memref<1x1x128x64xf32, #tpu.memory_space<hbm>> -> memref<128x64xf32, #tpu.memory_space<hbm>>
          %dma_wait3A_320 = arith.constant 0 : i32
          %dma_wait3A_321 = arith.constant 0 : i32
          %dma_wait3A_322 = tpu.memref_slice %arg4[%add3A, %dma_wait3A_315, %dma_wait3A_320, %dma_wait3A_321] : memref<32x200x128x64xf32, #tpu.memory_space<hbm>> -> memref<1x1x128x64xf32, #tpu.memory_space<hbm>>
          %dma_wait3A_323 = tpu.memref_squeeze %dma_wait3A_322 : memref<1x1x128x64xf32, #tpu.memory_space<hbm>> -> memref<128x64xf32, #tpu.memory_space<hbm>>
          tpu.wait_dma2 semaphore(%arg24 : memref<!tpu.dma_semaphore, #tpu.memory_space<semaphore_mem>>) src(%arg8 : memref<128x64xf32, #tpu.memory_space<vmem>>) dst(%dma_wait3A_323 : memref<128x64xf32, #tpu.memory_space<hbm>>)
        } else {
        }
        %dma_start3A_309 = arith.constant 0 : i32
        %dma_start3A_310 = tpu.memref_slice %arg5[%add3A_273, %dma_start3A_309] : memref<200x128xi32, #tpu.memory_space<vmem>> -> memref<1x128xi32, #tpu.memory_space<vmem>>
        %dma_start3A_311 = tpu.memref_squeeze %dma_start3A_310 : memref<1x128xi32, #tpu.memory_space<vmem>> -> memref<128xi32, #tpu.memory_space<vmem>>
        %dma_start3A_312 = arith.constant 0 : i32
        %dma_start3A_313 = arith.constant 0 : i32
        %dma_start3A_314 = tpu.memref_slice %arg2[%dma_start3A_312, %dma_start3A_313] : memref<1000x64xf32, #tpu.memory_space<hbm>> -> memref<1000x64xf32, #tpu.memory_space<hbm>>
        tpu.enqueue_indirect_dma source(%dma_start3A_314 : memref<1000x64xf32, #tpu.memory_space<hbm>>) target(%arg8 : memref<128x64xf32, #tpu.memory_space<vmem>>) offsets(%dma_start3A_311 : memref<128xi32, #tpu.memory_space<vmem>>) semaphore(%arg16 : memref<!tpu.dma_semaphore, #tpu.memory_space<semaphore_mem>>)
      } else {
      }
      %mul3A_279 = arith.constant 8 : i32
      %mul3A_280 = arith.muli %scan3A_105, %mul3A_279 : i32
      %add3A_281 = arith.constant 7 : i32
      %add3A_282 = arith.addi %mul3A_280, %add3A_281 : i32
      %dma_wait3A_283 = arith.constant 0 : i32
      %dma_wait3A_284 = arith.constant 0 : i32
      %dma_wait3A_285 = tpu.memref_slice %arg2[%dma_wait3A_283, %dma_wait3A_284] : memref<1000x64xf32, #tpu.memory_space<hbm>> -> memref<128x64xf32, #tpu.memory_space<hbm>>
      %dma_wait3A_286 = arith.constant 0 : i32
      %dma_wait3A_287 = arith.constant 0 : i32
      %dma_wait3A_288 = tpu.memref_slice %arg2[%dma_wait3A_286, %dma_wait3A_287] : memref<1000x64xf32, #tpu.memory_space<hbm>> -> memref<128x64xf32, #tpu.memory_space<hbm>>
      tpu.wait_dma2 semaphore(%arg21 : memref<!tpu.dma_semaphore, #tpu.memory_space<semaphore_mem>>) src(%dma_wait3A_288 : memref<128x64xf32, #tpu.memory_space<hbm>>) dst(%arg13 : memref<128x64xf32, #tpu.memory_space<vmem>>)
      %dma_start3A_289 = arith.constant 0 : i32
      %dma_start3A_290 = arith.constant 0 : i32
      %dma_start3A_291 = tpu.memref_slice %arg4[%add3A, %add3A_282, %dma_start3A_289, %dma_start3A_290] : memref<32x200x128x64xf32, #tpu.memory_space<hbm>> -> memref<1x1x128x64xf32, #tpu.memory_space<hbm>>
      %dma_start3A_292 = tpu.memref_squeeze %dma_start3A_291 : memref<1x1x128x64xf32, #tpu.memory_space<hbm>> -> memref<128x64xf32, #tpu.memory_space<hbm>>
      %dma_start3A_293 = arith.constant 0 : i32
      %dma_start3A_294 = arith.constant 0 : i32
      %dma_start3A_295 = tpu.memref_slice %arg4[%add3A, %add3A_282, %dma_start3A_293, %dma_start3A_294] : memref<32x200x128x64xf32, #tpu.memory_space<hbm>> -> memref<1x1x128x64xf32, #tpu.memory_space<hbm>>
      %dma_start3A_296 = tpu.memref_squeeze %dma_start3A_295 : memref<1x1x128x64xf32, #tpu.memory_space<hbm>> -> memref<128x64xf32, #tpu.memory_space<hbm>>
      tpu.enqueue_dma source(%arg13 : memref<128x64xf32, #tpu.memory_space<vmem>>) target(%dma_start3A_296 : memref<128x64xf32, #tpu.memory_space<hbm>>) target_semaphore(%arg29 : memref<!tpu.dma_semaphore, #tpu.memory_space<semaphore_mem>>)
      %add3A_297 = arith.constant 4 : i32
      %add3A_298 = arith.addi %add3A_282, %add3A_297 : i32
      %lt3A_299 = arith.constant 200 : i32
      %lt3A_300 = arith.cmpi slt, %add3A_298, %lt3A_299 : i32
      %convert_element_type3A_301 = arith.extui %lt3A_300 : i1 to i32
      %cond3A_302 = arith.constant 0 : i32
      %cond3A_303 = arith.cmpi ne, %convert_element_type3A_301, %cond3A_302 : i32
      scf.if %cond3A_303 {
        %ge3A = arith.constant 4 : i32
        %ge3A_305 = arith.cmpi sge, %add3A_282, %ge3A : i32
        %convert_element_type3A_306 = arith.extui %ge3A_305 : i1 to i32
        %cond3A_307 = arith.constant 0 : i32
        %cond3A_308 = arith.cmpi ne, %convert_element_type3A_306, %cond3A_307 : i32
        scf.if %cond3A_308 {
          %dma_wait3A_315 = arith.constant 0 : i32
          %dma_wait3A_316 = arith.constant 0 : i32
          %dma_wait3A_317 = arith.constant 0 : i32
          %dma_wait3A_318 = tpu.memref_slice %arg4[%add3A, %dma_wait3A_315, %dma_wait3A_316, %dma_wait3A_317] : memref<32x200x128x64xf32, #tpu.memory_space<hbm>> -> memref<1x1x128x64xf32, #tpu.memory_space<hbm>>
          %dma_wait3A_319 = tpu.memref_squeeze %dma_wait3A_318 : memref<1x1x128x64xf32, #tpu.memory_space<hbm>> -> memref<128x64xf32, #tpu.memory_space<hbm>>
          %dma_wait3A_320 = arith.constant 0 : i32
          %dma_wait3A_321 = arith.constant 0 : i32
          %dma_wait3A_322 = tpu.memref_slice %arg4[%add3A, %dma_wait3A_315, %dma_wait3A_320, %dma_wait3A_321] : memref<32x200x128x64xf32, #tpu.memory_space<hbm>> -> memref<1x1x128x64xf32, #tpu.memory_space<hbm>>
          %dma_wait3A_323 = tpu.memref_squeeze %dma_wait3A_322 : memref<1x1x128x64xf32, #tpu.memory_space<hbm>> -> memref<128x64xf32, #tpu.memory_space<hbm>>
          tpu.wait_dma2 semaphore(%arg25 : memref<!tpu.dma_semaphore, #tpu.memory_space<semaphore_mem>>) src(%arg9 : memref<128x64xf32, #tpu.memory_space<vmem>>) dst(%dma_wait3A_323 : memref<128x64xf32, #tpu.memory_space<hbm>>)
        } else {
        }
        %dma_start3A_309 = arith.constant 0 : i32
        %dma_start3A_310 = tpu.memref_slice %arg5[%add3A_298, %dma_start3A_309] : memref<200x128xi32, #tpu.memory_space<vmem>> -> memref<1x128xi32, #tpu.memory_space<vmem>>
        %dma_start3A_311 = tpu.memref_squeeze %dma_start3A_310 : memref<1x128xi32, #tpu.memory_space<vmem>> -> memref<128xi32, #tpu.memory_space<vmem>>
        %dma_start3A_312 = arith.constant 0 : i32
        %dma_start3A_313 = arith.constant 0 : i32
        %dma_start3A_314 = tpu.memref_slice %arg2[%dma_start3A_312, %dma_start3A_313] : memref<1000x64xf32, #tpu.memory_space<hbm>> -> memref<1000x64xf32, #tpu.memory_space<hbm>>
        tpu.enqueue_indirect_dma source(%dma_start3A_314 : memref<1000x64xf32, #tpu.memory_space<hbm>>) target(%arg9 : memref<128x64xf32, #tpu.memory_space<vmem>>) offsets(%dma_start3A_311 : memref<128xi32, #tpu.memory_space<vmem>>) semaphore(%arg17 : memref<!tpu.dma_semaphore, #tpu.memory_space<semaphore_mem>>)
      } else {
      }
      %scan3A_304 = arith.constant 0 : i32
      scf.yield %scan3A_304 : i32
    }
    %scan3A_33 = arith.constant 25 : i32
    %dma_wait3A = arith.constant 0 : i32
    %dma_wait3A_34 = arith.constant 0 : i32
    %dma_wait3A_35 = arith.constant 0 : i32
    %dma_wait3A_36 = tpu.memref_slice %arg4[%add3A, %dma_wait3A, %dma_wait3A_34, %dma_wait3A_35] : memref<32x200x128x64xf32, #tpu.memory_space<hbm>> -> memref<1x1x128x64xf32, #tpu.memory_space<hbm>>
    %dma_wait3A_37 = tpu.memref_squeeze %dma_wait3A_36 : memref<1x1x128x64xf32, #tpu.memory_space<hbm>> -> memref<128x64xf32, #tpu.memory_space<hbm>>
    %dma_wait3A_38 = arith.constant 0 : i32
    %dma_wait3A_39 = arith.constant 0 : i32
    %dma_wait3A_40 = tpu.memref_slice %arg4[%add3A, %dma_wait3A, %dma_wait3A_38, %dma_wait3A_39] : memref<32x200x128x64xf32, #tpu.memory_space<hbm>> -> memref<1x1x128x64xf32, #tpu.memory_space<hbm>>
    %dma_wait3A_41 = tpu.memref_squeeze %dma_wait3A_40 : memref<1x1x128x64xf32, #tpu.memory_space<hbm>> -> memref<128x64xf32, #tpu.memory_space<hbm>>
    tpu.wait_dma2 semaphore(%arg22 : memref<!tpu.dma_semaphore, #tpu.memory_space<semaphore_mem>>) src(%arg6 : memref<128x64xf32, #tpu.memory_space<vmem>>) dst(%dma_wait3A_41 : memref<128x64xf32, #tpu.memory_space<hbm>>)
    %dma_wait3A_42 = arith.constant 0 : i32
    %dma_wait3A_43 = arith.constant 0 : i32
    %dma_wait3A_44 = arith.constant 0 : i32
    %dma_wait3A_45 = tpu.memref_slice %arg4[%add3A, %dma_wait3A_42, %dma_wait3A_43, %dma_wait3A_44] : memref<32x200x128x64xf32, #tpu.memory_space<hbm>> -> memref<1x1x128x64xf32, #tpu.memory_space<hbm>>
    %dma_wait3A_46 = tpu.memref_squeeze %dma_wait3A_45 : memref<1x1x128x64xf32, #tpu.memory_space<hbm>> -> memref<128x64xf32, #tpu.memory_space<hbm>>
    %dma_wait3A_47 = arith.constant 0 : i32
    %dma_wait3A_48 = arith.constant 0 : i32
    %dma_wait3A_49 = tpu.memref_slice %arg4[%add3A, %dma_wait3A_42, %dma_wait3A_47, %dma_wait3A_48] : memref<32x200x128x64xf32, #tpu.memory_space<hbm>> -> memref<1x1x128x64xf32, #tpu.memory_space<hbm>>
    %dma_wait3A_50 = tpu.memref_squeeze %dma_wait3A_49 : memref<1x1x128x64xf32, #tpu.memory_space<hbm>> -> memref<128x64xf32, #tpu.memory_space<hbm>>
    tpu.wait_dma2 semaphore(%arg23 : memref<!tpu.dma_semaphore, #tpu.memory_space<semaphore_mem>>) src(%arg7 : memref<128x64xf32, #tpu.memory_space<vmem>>) dst(%dma_wait3A_50 : memref<128x64xf32, #tpu.memory_space<hbm>>)
    %dma_wait3A_51 = arith.constant 0 : i32
    %dma_wait3A_52 = arith.constant 0 : i32
    %dma_wait3A_53 = arith.constant 0 : i32
    %dma_wait3A_54 = tpu.memref_slice %arg4[%add3A, %dma_wait3A_51, %dma_wait3A_52, %dma_wait3A_53] : memref<32x200x128x64xf32, #tpu.memory_space<hbm>> -> memref<1x1x128x64xf32, #tpu.memory_space<hbm>>
    %dma_wait3A_55 = tpu.memref_squeeze %dma_wait3A_54 : memref<1x1x128x64xf32, #tpu.memory_space<hbm>> -> memref<128x64xf32, #tpu.memory_space<hbm>>
    %dma_wait3A_56 = arith.constant 0 : i32
    %dma_wait3A_57 = arith.constant 0 : i32
    %dma_wait3A_58 = tpu.memref_slice %arg4[%add3A, %dma_wait3A_51, %dma_wait3A_56, %dma_wait3A_57] : memref<32x200x128x64xf32, #tpu.memory_space<hbm>> -> memref<1x1x128x64xf32, #tpu.memory_space<hbm>>
    %dma_wait3A_59 = tpu.memref_squeeze %dma_wait3A_58 : memref<1x1x128x64xf32, #tpu.memory_space<hbm>> -> memref<128x64xf32, #tpu.memory_space<hbm>>
    tpu.wait_dma2 semaphore(%arg24 : memref<!tpu.dma_semaphore, #tpu.memory_space<semaphore_mem>>) src(%arg8 : memref<128x64xf32, #tpu.memory_space<vmem>>) dst(%dma_wait3A_59 : memref<128x64xf32, #tpu.memory_space<hbm>>)
    %dma_wait3A_60 = arith.constant 0 : i32
    %dma_wait3A_61 = arith.constant 0 : i32
    %dma_wait3A_62 = arith.constant 0 : i32
    %dma_wait3A_63 = tpu.memref_slice %arg4[%add3A, %dma_wait3A_60, %dma_wait3A_61, %dma_wait3A_62] : memref<32x200x128x64xf32, #tpu.memory_space<hbm>> -> memref<1x1x128x64xf32, #tpu.memory_space<hbm>>
    %dma_wait3A_64 = tpu.memref_squeeze %dma_wait3A_63 : memref<1x1x128x64xf32, #tpu.memory_space<hbm>> -> memref<128x64xf32, #tpu.memory_space<hbm>>
    %dma_wait3A_65 = arith.constant 0 : i32
    %dma_wait3A_66 = arith.constant 0 : i32
    %dma_wait3A_67 = tpu.memref_slice %arg4[%add3A, %dma_wait3A_60, %dma_wait3A_65, %dma_wait3A_66] : memref<32x200x128x64xf32, #tpu.memory_space<hbm>> -> memref<1x1x128x64xf32, #tpu.memory_space<hbm>>
    %dma_wait3A_68 = tpu.memref_squeeze %dma_wait3A_67 : memref<1x1x128x64xf32, #tpu.memory_space<hbm>> -> memref<128x64xf32, #tpu.memory_space<hbm>>
    tpu.wait_dma2 semaphore(%arg25 : memref<!tpu.dma_semaphore, #tpu.memory_space<semaphore_mem>>) src(%arg9 : memref<128x64xf32, #tpu.memory_space<vmem>>) dst(%dma_wait3A_68 : memref<128x64xf32, #tpu.memory_space<hbm>>)
    %dma_wait3A_69 = arith.constant 0 : i32
    %dma_wait3A_70 = arith.constant 0 : i32
    %dma_wait3A_71 = arith.constant 0 : i32
    %dma_wait3A_72 = tpu.memref_slice %arg4[%add3A, %dma_wait3A_69, %dma_wait3A_70, %dma_wait3A_71] : memref<32x200x128x64xf32, #tpu.memory_space<hbm>> -> memref<1x1x128x64xf32, #tpu.memory_space<hbm>>
    %dma_wait3A_73 = tpu.memref_squeeze %dma_wait3A_72 : memref<1x1x128x64xf32, #tpu.memory_space<hbm>> -> memref<128x64xf32, #tpu.memory_space<hbm>>
    %dma_wait3A_74 = arith.constant 0 : i32
    %dma_wait3A_75 = arith.constant 0 : i32
    %dma_wait3A_76 = tpu.memref_slice %arg4[%add3A, %dma_wait3A_69, %dma_wait3A_74, %dma_wait3A_75] : memref<32x200x128x64xf32, #tpu.memory_space<hbm>> -> memref<1x1x128x64xf32, #tpu.memory_space<hbm>>
    %dma_wait3A_77 = tpu.memref_squeeze %dma_wait3A_76 : memref<1x1x128x64xf32, #tpu.memory_space<hbm>> -> memref<128x64xf32, #tpu.memory_space<hbm>>
    tpu.wait_dma2 semaphore(%arg26 : memref<!tpu.dma_semaphore, #tpu.memory_space<semaphore_mem>>) src(%arg10 : memref<128x64xf32, #tpu.memory_space<vmem>>) dst(%dma_wait3A_77 : memref<128x64xf32, #tpu.memory_space<hbm>>)
    %dma_wait3A_78 = arith.constant 0 : i32
    %dma_wait3A_79 = arith.constant 0 : i32
    %dma_wait3A_80 = arith.constant 0 : i32
    %dma_wait3A_81 = tpu.memref_slice %arg4[%add3A, %dma_wait3A_78, %dma_wait3A_79, %dma_wait3A_80] : memref<32x200x128x64xf32, #tpu.memory_space<hbm>> -> memref<1x1x128x64xf32, #tpu.memory_space<hbm>>
    %dma_wait3A_82 = tpu.memref_squeeze %dma_wait3A_81 : memref<1x1x128x64xf32, #tpu.memory_space<hbm>> -> memref<128x64xf32, #tpu.memory_space<hbm>>
    %dma_wait3A_83 = arith.constant 0 : i32
    %dma_wait3A_84 = arith.constant 0 : i32
    %dma_wait3A_85 = tpu.memref_slice %arg4[%add3A, %dma_wait3A_78, %dma_wait3A_83, %dma_wait3A_84] : memref<32x200x128x64xf32, #tpu.memory_space<hbm>> -> memref<1x1x128x64xf32, #tpu.memory_space<hbm>>
    %dma_wait3A_86 = tpu.memref_squeeze %dma_wait3A_85 : memref<1x1x128x64xf32, #tpu.memory_space<hbm>> -> memref<128x64xf32, #tpu.memory_space<hbm>>
    tpu.wait_dma2 semaphore(%arg27 : memref<!tpu.dma_semaphore, #tpu.memory_space<semaphore_mem>>) src(%arg11 : memref<128x64xf32, #tpu.memory_space<vmem>>) dst(%dma_wait3A_86 : memref<128x64xf32, #tpu.memory_space<hbm>>)
    %dma_wait3A_87 = arith.constant 0 : i32
    %dma_wait3A_88 = arith.constant 0 : i32
    %dma_wait3A_89 = arith.constant 0 : i32
    %dma_wait3A_90 = tpu.memref_slice %arg4[%add3A, %dma_wait3A_87, %dma_wait3A_88, %dma_wait3A_89] : memref<32x200x128x64xf32, #tpu.memory_space<hbm>> -> memref<1x1x128x64xf32, #tpu.memory_space<hbm>>
    %dma_wait3A_91 = tpu.memref_squeeze %dma_wait3A_90 : memref<1x1x128x64xf32, #tpu.memory_space<hbm>> -> memref<128x64xf32, #tpu.memory_space<hbm>>
    %dma_wait3A_92 = arith.constant 0 : i32
    %dma_wait3A_93 = arith.constant 0 : i32
    %dma_wait3A_94 = tpu.memref_slice %arg4[%add3A, %dma_wait3A_87, %dma_wait3A_92, %dma_wait3A_93] : memref<32x200x128x64xf32, #tpu.memory_space<hbm>> -> memref<1x1x128x64xf32, #tpu.memory_space<hbm>>
    %dma_wait3A_95 = tpu.memref_squeeze %dma_wait3A_94 : memref<1x1x128x64xf32, #tpu.memory_space<hbm>> -> memref<128x64xf32, #tpu.memory_space<hbm>>
    tpu.wait_dma2 semaphore(%arg28 : memref<!tpu.dma_semaphore, #tpu.memory_space<semaphore_mem>>) src(%arg12 : memref<128x64xf32, #tpu.memory_space<vmem>>) dst(%dma_wait3A_95 : memref<128x64xf32, #tpu.memory_space<hbm>>)
    %dma_wait3A_96 = arith.constant 0 : i32
    %dma_wait3A_97 = arith.constant 0 : i32
    %dma_wait3A_98 = arith.constant 0 : i32
    %dma_wait3A_99 = tpu.memref_slice %arg4[%add3A, %dma_wait3A_96, %dma_wait3A_97, %dma_wait3A_98] : memref<32x200x128x64xf32, #tpu.memory_space<hbm>> -> memref<1x1x128x64xf32, #tpu.memory_space<hbm>>
    %dma_wait3A_100 = tpu.memref_squeeze %dma_wait3A_99 : memref<1x1x128x64xf32, #tpu.memory_space<hbm>> -> memref<128x64xf32, #tpu.memory_space<hbm>>
    %dma_wait3A_101 = arith.constant 0 : i32
    %dma_wait3A_102 = arith.constant 0 : i32
    %dma_wait3A_103 = tpu.memref_slice %arg4[%add3A, %dma_wait3A_96, %dma_wait3A_101, %dma_wait3A_102] : memref<32x200x128x64xf32, #tpu.memory_space<hbm>> -> memref<1x1x128x64xf32, #tpu.memory_space<hbm>>
    %dma_wait3A_104 = tpu.memref_squeeze %dma_wait3A_103 : memref<1x1x128x64xf32, #tpu.memory_space<hbm>> -> memref<128x64xf32, #tpu.memory_space<hbm>>
    tpu.wait_dma2 semaphore(%arg29 : memref<!tpu.dma_semaphore, #tpu.memory_space<semaphore_mem>>) src(%arg13 : memref<128x64xf32, #tpu.memory_space<vmem>>) dst(%dma_wait3A_104 : memref<128x64xf32, #tpu.memory_space<hbm>>)
    return
  }
}

</mosaic_0001>

<sc_bundles>
// kernel: kernel.3.cloned.1.call-start
scs
__scs_entry_jumppad:
0x0: {  	(pc) =	sbr.rel $0x88, $3  }
0x1: {  	(tag) =	ssettag $0x0;
	lr =	simm.s32 $0x1  }
0x2: {  	[smem:$0x3F9F] =	sst lr;
	_ =	strace $0xD0000000  }
0x3: {  	_ = 	snop  }
0x4: {  	_ = 	snop  }
0x5: {  	_ = 	snop  }
0x6: {  	_ = 	snop  }
0x7: {  	_ = 	snop  }
__scs_overlays_trampoline_lowered:
0x8: {  	[smem:$0x3FAE] =	sst s0  }
0x9: {  	[smem:$0x3FAF] =	sst s1  }
0xa: {  	[smem:$0x3FB0] =	sst s2  }
0xb: {  	[smem:$0x3FB1] =	sst s3  }
0xc: {  	[smem:$0x3FB2] =	sst s4  }
0xd: {  	[smem:$0x3FB3] =	sst s5  }
0xe: {  	[smem:$0x3FB4] =	sst s6  }
0xf: {  	[smem:$0x3FB5] =	sst s7  }
0x10: {  	[smem:$0x3FB6] =	sst s8  }
0x11: {  	[smem:$0x3FB7] =	sst s9;
	s0 =	simm.s32 @!p0 $0x0  }
0x12: {  	s1 =	sld [smem:$0x3F9D];
	s0 =	simm.s32 @p0 $0x1  }
0x13: {  	[smem:$0x3FB8] =	sst s0;
	s0 =	simm.s32 @!p1 $0x0  }
0x14: {  	s2 =	sld [smem:$0x3F9C];
	s0 =	simm.s32 @p1 $0x1  }
0x15: {  	[smem:$0x3FB9] =	sst s0;
	s0 =	simm.s32 @!p2 $0x0  }
0x16: {  	s3 =	sld [smem:$0x3FDB];
	s0 =	simm.s32 @p2 $0x1  }
0x17: {  	s4 =	simm.s32 $0x1BF5;
	[smem:$0x3FBB] =	sst s0  }
0x18: {  	s0 =	sld [smem:$0x3F9E];
	_ =	swait.ge [sflag:s4], $0x0  }
0x19: {  	s7 =	sld [smem:$0x3F9F]  }
0x1a: {  	s8 =	sadd.s32 $0xFFFFE003, lr  }
0x1b: {  	s9 =	sadd.s32 $0xFFFFFEF7, lr;
	s5 =	simm.s32 $0xFFFFFFFF;
	p2 =	slt.u32 s8, $0xFFFFF086  }
0x1c: {  	p1 =	slt.u32 s9, $0xF7A;
	s5 =	simm.s32 @!p2 $0x0  }
0x1d: {  	s5 =	simm.s32 @p1 $0x1;
	p0 =	seq.s32 s7, s2  }
0x1e: {  	s7 =	smul.u32 @!p0 $0xF7A, s2;
	p2 =	seq.s32 @!p0 s5, $0x0  }
0x1f: {  	s9 =	smul.u32 $0xF7A, s1;
	s8 =	simm.s32 @!p0 $0x1BF5;
	p2 =	por !p2, p0  }
0x20: {  	[sflag:s8] =	ssyncset.s32 @!p0 $0xFFFFF086;
	s6 =	sadd.s32 @!p0 s3, s7;
	s7 =	simm.s32 @!p0 $0x108  }
0x21: {  	s3 =	sadd.s32 s3, s9;
	s6 =	sadd.s32 @!p0 $0x88, s6;
	s7 =	simm.s32 @p2 $0x1082  }
0x22: {  	[simem:s7], [sflag:s8] =	dma.local @!p0 [hbm:s6], $0xF7A  }
0x23: {  	s9 =	sor.u32 $0xD0000000, s2;
	s6 =	simm.s32 $0x108;
	_ =	swait.ge @!p0 [sflag:s8], $0x0  }
0x24: {  	s3 =	sadd.s32 $0x88, s3;
	s6 =	simm.s32 @!p1 $0x1082;
	[sflag:s4] =	ssyncset.s32 $0xFFFFF086  }
0x25: {  	[simem:s6], [sflag:s4] =	dma.local [hbm:s3], $0xF7A  }
0x26: {  	[smem:$0x3F9F] =	sst s1;
	(tag) =	ssettag s2;
	_ =	strace s9  }
0x27: {  	s1 =	sld [smem:$0x3FAF]  }
0x28: {  	s2 =	sld [smem:$0x3FB0]  }
0x29: {  	s4 =	sld [smem:$0x3FB2]  }
0x2a: {  	p0 =	seq.s32 s5, $0x0;
	s5 =	sld [smem:$0x3FB3]  }
0x2b: {  	s6 =	sld [smem:$0x3FB4]  }
0x2c: {  	s7 =	sld [smem:$0x3FB5]  }
0x2d: {  	s3 =	simm.s32 $0x108;
	s8 =	sld [smem:$0x3FB6]  }
0x2e: {  	s3 =	simm.s32 @!p0 $0x1082;
	s9 =	sld [smem:$0x3FB7]  }
0x2f: {  	lr =	sadd.s32 s0, s3;
	s0 =	sld [smem:$0x3FAE]  }
0x30: {  	s3 =	sld [smem:$0x3FB1]  }
0x31: {  	[smem:$0x3FBA] =	sst s10  }
0x32: {  	s10 =	sld [smem:$0x3FB8];
	_ =	sdelay $0x3  }
0x33: {  	p0 =	seq.s32 s10, $0x1;
	s10 =	sld [smem:$0x3FBA];
	_ =	sdelay $0x3  }
0x34: {  	[smem:$0x3FBA] =	sst s10  }
0x35: {  	s10 =	sld [smem:$0x3FB9];
	_ =	sdelay $0x3  }
0x36: {  	p1 =	seq.s32 s10, $0x1;
	s10 =	sld [smem:$0x3FBA];
	_ =	sdelay $0x3  }
0x37: {  	[smem:$0x3FBA] =	sst s10  }
0x38: {  	s10 =	sld [smem:$0x3FBB]  }
0x39: {  	_ = 	snop;
	(pc) =	sbr.ind lr, $3  }
0x3a: {  	_ = 	snop  }
0x3b: {  	_ = 	snop  }
0x3c: {  	p2 =	seq.s32 s10, $0x1;
	s10 =	sld [smem:$0x3FBA]  }
0x3d: {  	_ =	shalt  }
0x3e: {  	_ =	shalt  }
0x3f: {  	_ =	shalt  }
0x40: {  	_ =	shalt  }
0x41: {  	_ =	shalt  }
0x42: {  	_ =	shalt  }
0x43: {  	_ =	shalt  }
0x44: {  	_ =	shalt  }
0x45: {  	_ =	shalt  }
0x46: {  	_ =	shalt  }
0x47: {  	_ =	shalt  }
0x48: {  	_ =	shalt  }
0x49: {  	_ =	shalt  }
0x4a: {  	_ =	shalt  }
0x4b: {  	_ =	shalt  }
0x4c: {  	_ =	shalt  }
0x4d: {  	_ =	shalt  }
0x4e: {  	_ =	shalt  }
0x4f: {  	_ =	shalt  }
0x50: {  	_ =	shalt  }
0x51: {  	_ =	shalt  }
0x52: {  	_ =	shalt  }
0x53: {  	_ =	shalt  }
0x54: {  	_ =	shalt  }
0x55: {  	_ =	shalt  }
0x56: {  	_ =	shalt  }
0x57: {  	_ =	shalt  }
0x58: {  	_ =	shalt  }
0x59: {  	_ =	shalt  }
0x5a: {  	_ =	shalt  }
0x5b: {  	_ =	shalt  }
0x5c: {  	_ =	shalt  }
0x5d: {  	_ =	shalt  }
0x5e: {  	_ =	shalt  }
0x5f: {  	_ =	shalt  }
0x60: {  	_ =	shalt  }
0x61: {  	_ =	shalt  }
0x62: {  	_ =	shalt  }
0x63: {  	_ =	shalt  }
0x64: {  	_ =	shalt  }
0x65: {  	_ =	shalt  }
0x66: {  	_ =	shalt  }
0x67: {  	_ =	shalt  }
0x68: {  	_ =	shalt  }
0x69: {  	_ =	shalt  }
0x6a: {  	_ =	shalt  }
0x6b: {  	_ =	shalt  }
0x6c: {  	_ =	shalt  }
0x6d: {  	_ =	shalt  }
0x6e: {  	_ =	shalt  }
0x6f: {  	_ =	shalt  }
0x70: {  	_ =	shalt  }
0x71: {  	_ =	shalt  }
0x72: {  	_ =	shalt  }
0x73: {  	_ =	shalt  }
0x74: {  	_ =	shalt  }
0x75: {  	_ =	shalt  }
0x76: {  	_ =	shalt  }
0x77: {  	_ =	shalt  }
0x78: {  	_ =	shalt  }
0x79: {  	_ =	shalt  }
0x7a: {  	_ =	shalt  }
0x7b: {  	_ =	shalt  }
0x7c: {  	_ =	shalt  }
0x7d: {  	_ =	shalt  }
0x7e: {  	_ =	shalt  }
0x7f: {  	_ =	shalt  }
0x80: {  	_ =	shalt  }
0x81: {  	_ =	shalt  }
0x82: {  	_ =	shalt  }
0x83: {  	_ =	shalt  }
0x84: {  	_ =	shalt  }
0x85: {  	_ =	shalt  }
0x86: {  	_ =	shalt  }
0x87: {  	_ =	shalt  }
.Lfunc_end0:
.L_simem_size_0:
called_computation.1_lowered:
.L_overlay_start_0:
0x88: {  	s2 =	sld [smem:$0x3FD9]  }
0x89: {  	s3 =	sld [smem:$0x3FFE];
	_ =	sdelay $0x1  }
0x8a: {  	s1 =	srdreg.scid  }
0x8b: {  	s0 =	sand.u32 $0x1, s1  }
0x8c: {  	s17 =	sshll.u32 s0, $0xA;
	s2 =	sadd.s32 s3, s2  }
0x8d: {  	s2 =	sadd.s32 s2, s17  }
0x8e: {  	[smem:$0x3FC6] =	sst s2  }
0x8f: {  	_ = 	snop  }
0x90: {  	s2 =	sld [smem:$0x3FD0];
	(tm) =	ssettm $0x1  }
0x91: {  	s18 =	sld [smem:$0x3FFB];
	_ =	sdelay $0x3  }
0x92: {  	_ =	strace s18  }
0x93: {  	s3 =	sld [smem:$0x3FFC];
	_ =	sdelay $0x3  }
0x94: {  	_ =	strace s3  }
0x95: {  	s3 =	sld [smem:$0x3FFD];
	_ =	sdelay $0x3  }
0x96: {  	_ =	strace s3  }
0x97: {  	_ =	strace $0x8FFFFFFF  }
0x98: {  	s19 =	sld [smem:$0x3FDB];
	_ =	sdelay $0x1  }
0x99: {  	s4 =	simm.s32 $_scs_section_size  }
0x9a: {  	s5 =	simm.s32 $_size__tile_overlayer_lowered;
	s6 =	simm.s32 $_tile_overlayer_lowered  }
0x9b: {  	s22 =	simm.s32 $0x1BFF;
	s21 =	sshll.u32 s6, $0x1;
	s3 =	sadd.s32 s4, s19  }
0x9c: {  	s7 =	simm.s32 $0x0;
	s20 =	sshll.u32 s5, $0x1;
	s5 =	sadd.s32 s21, s3  }
0x9d: {  	[timem:s7], [sflag:s22] =	dma.local [hbm:s5], s20  }
0x9e: {  	_ =	swait.ge [sflag:s22], s20  }
0x9f: {  	s4 =	ssub.s32 $0x0, s20;
	[sflag:s22] =	ssyncset.done $0x0  }
0xa0: {  	[sflag:s22] =	ssyncadd.s32 s4;
	_ =	sdelay $0x1  }
0xa1: {  	s23 =	simm.s32 $0x1B8B  }
0xa2: {  	_ =	swait.ge [sflag:s23], $0x1  }
0xa3: {  	[sflag:s23] =	ssyncset.done $0x0  }
0xa4: {  	s25 =	simm.s32 $0x1B8E;
	s24 =	sld [smem:$0x3FFE];
	[sflag:s23] =	ssyncadd.s32 $0xFFFFFFFF  }
0xa5: {  	s26 =	simm.s32 $execute0_lowered;
	[smem:$0x3FD2] =	sst s25  }
0xa6: {  	s5 =	sshll.u32 s26, $0x1;
	_ =	strace $0x80000046;
	[dreg:$0x1] =	wrdreg $0xFFFFFFFF  }
0xa7: {  	s28 =	simm.s32 $_size_execute0_lowered;
	s3 =	sadd.s32 s3, s5;
	[dreg:$0x0] =	wrdreg $0x0  }
0xa8: {  	s5 =	sshll.u32 s28, $0x1;
	[dreg:$0x2] =	wrdreg s3  }
0xa9: {  	[dreg:$0x3] =	wrdreg s5  }
0xaa: {  	[dreg:$0x4] =	wrdreg $0xC0  }
0xab: {  	_ =	task [dreg:s7], $0x5FFFF  }
0xac: {  	[dreg:$0x1] =	wrdreg $0xFFFFFFFF  }
0xad: {  	[dreg:$0x0] =	wrdreg $0x60  }
0xae: {  	[dreg:$0x2] =	wrdreg s24  }
0xaf: {  	[dreg:$0x3] =	wrdreg s2  }
0xb0: {  	[dreg:$0x4] =	wrdreg $0x9  }
0xb1: {  	_ =	task.clear_ibuf [dreg:s7], $0x5FFFF;
	_ =	strace $0x90000046  }
0xb2: {  	s29 =	simm.s32 $0x9;
	_ =	strace $0x80000048  }
0xb3: {  	_ =	swait.ge [sflag:s29], $0x1  }
0xb4: {  	[sflag:s29] =	ssyncadd.s32 $0xFFFFFFFF  }
0xb5: {  	_ =	strace $0x90000048  }
0xb6: {  	_ =	sfence  }
0xb7: {  	s30 =	sld [smem:$0x0];
	_ =	sdelay $0x2  }
0xb8: {  	s31 =	sshll.u32 s1, $0xD;
	s1 =	sshrl.u32 s1, $0x2  }
0xb9: {  	s3 =	sand.u32 $0x4000, s31;
	s1 =	sadd.s32 s1, s30  }
0xba: {  	s0 =	sor.u32 s3, s0;
	s1 =	sshll.u32 s1, $0x11  }
0xbb: {  	s0 =	sor.u32 s1, s0  }
0xbc: {  	s0 =	sadd.s32 $0x8F2B, s0  }
0xbd: {  	[sflag:s0] =	ssyncadd.remote.s32 $0x1  }
0xbe: {  	_ =	sfence.sel $0xFFFF  }
0xbf: {  	[dreg:$0x0] =	wrdreg $0xFFFFFFFF;
	(pc) =	sbr.abs _section_cstart, $3  }
0xc0: {  	[dreg:$0x1] =	wrdreg $0xFFFFFFFF  }
0xc1: {  	_ =	task.clear_ibuf [dreg:s7], $0x2FFFF;
	_ =	strace $0x9FFFFFFF  }
0xc2: {  	(tm) =	ssettm $0x7FFFFFFF  }
0xc3: {  	_ =	shalt  }
tec
execute0_lowered:
.L_overlay_start_1:
0x0: {  	(tag) =	ssettag $0x1  }
0x1: {  	s0 =	srdreg.scid  }
0x2: {  	s4 =	stileid.u32;
	s1 =	rddreg [dreg:$0x0];
	s3 =	simm.s32 $0x0  }
0x3: {  	s16 =	simm.s32 $0x80;
	s28 =	simm.s32 $0x3;
	s29 =	simm.s32 $0x12400  }
0x4: {  	s30 =	simm.s32 $0x4;
	s31 =	simm.s32 $0x14400;
	s15 =	simm.s32 $0xC  }
0x5: {  	s0 =	sand.u32 $0x1, s0;
	s2 =	sshll.u32 s4, $0x1;
	s5 =	smul.u32 $0x320000, s4  }
0x6: {  	s2 =	sor.u32 s0, s2;
	s6 =	ssub.s32 $0x2, s0;
	s0 =	smul.u32 $0x190000, s0  }
0x7: {  	s7 =	simm.s32 $0x0;
	[smem:$0x7FF] =	sst s3;
	s2 =	smul.u32 $0xC80, s2  }
0x8: {  	s4 =	sadd.s32 $0x800, s1;
	_ =	strace $0x80000047;
	s19 =	sshrl.u32 s6, $0x1  }
0x9: {  	s0 =	sadd.s32 s0, s5;
	s1 =	sadd.s32 s2, s1;
	s2 =	ssub.s32 s6, s19  }
0xa: {  	s21 =	sor.u32 $0x6000, s0;
	s22 =	sor.u32 $0x4000, s0;
	s23 =	sor.u32 $0x2000, s0  }
0xb: {  	s10 =	sshrl.u32 s0, $0x3;
	s24 =	sor.u32 $0xE000, s0;
	s25 =	sor.u32 $0xC000, s0  }
0xc: {  	s26 =	sor.u32 $0xA000, s0;
	s0 =	sor.u32 $0x8000, s0;
	s19 =	simm.s32 $0x8  }
0xd: {  	s1 =	sadd.s32 $0x2800, s1;
	s20 =	smax.u32 s2, $0x1;
	s8 =	sshrl.u32 s22, $0x3  }
0xe: {  	s9 =	sshrl.u32 s23, $0x3;
	s11 =	sshrl.u32 s24, $0x3;
	s12 =	sshrl.u32 s25, $0x3  }
.Ltmp0:
0xf: {  	s13 =	sshrl.u32 s26, $0x3;
	s14 =	sshrl.u32 s0, $0x3;
	(pc) =	sbr.rel .LBB2_1-.Ltmp0, $4  }
0x10: {  	s22 =	simm.s32 $0xC400;
	s23 =	simm.s32 $0x1;
	s24 =	simm.s32 $0xE400  }
0x11: {  	s25 =	simm.s32 $0x2;
	s26 =	simm.s32 $0x10400;
	[dreg:$0x3] =	wrdreg s1  }
0x12: {  	s0 =	simm.s32 $0x6;
	[dreg:$0x4] =	wrdreg s20;
	s1 =	sshrl.u32 s21, $0x3  }
0x13: {  	s2 =	simm.s32 $0x7;
	[dreg:$0x5] =	wrdreg s1;
	s1 =	simm.s32 $0x5  }
.LBB2_4:
0x14: {  	s5 =	simm.s32 $0x9  }
0x15: {  	_ =	swait.ge [sflag:s5], $0x2000  }
0x16: {  	[sflag:s5] =	ssyncset.done $0x0  }
0x17: {  	s6 =	simm.s32 $0xA;
	[sflag:s5] =	ssyncadd.s32 $0xFFFFE000  }
0x18: {  	_ =	swait.ge [sflag:s6], $0x2000  }
0x19: {  	[sflag:s6] =	ssyncset.done $0x0  }
0x1a: {  	s7 =	simm.s32 $0xB;
	[sflag:s6] =	ssyncadd.s32 $0xFFFFE000  }
0x1b: {  	_ =	swait.ge [sflag:s7], $0x2000  }
0x1c: {  	[sflag:s7] =	ssyncset.done $0x0  }
0x1d: {  	[sflag:s7] =	ssyncadd.s32 $0xFFFFE000  }
0x1e: {  	_ =	swait.ge [sflag:s15], $0x2000  }
0x1f: {  	[sflag:s15] =	ssyncset.done $0x0  }
0x20: {  	s17 =	simm.s32 $0xD;
	[sflag:s15] =	ssyncadd.s32 $0xFFFFE000  }
0x21: {  	_ =	swait.ge [sflag:s17], $0x2000  }
0x22: {  	[sflag:s17] =	ssyncset.done $0x0  }
0x23: {  	s18 =	simm.s32 $0xE;
	[sflag:s17] =	ssyncadd.s32 $0xFFFFE000  }
0x24: {  	_ =	swait.ge [sflag:s18], $0x2000  }
0x25: {  	[sflag:s18] =	ssyncset.done $0x0  }
0x26: {  	s20 =	simm.s32 $0xF;
	[sflag:s18] =	ssyncadd.s32 $0xFFFFE000  }
0x27: {  	_ =	swait.ge [sflag:s20], $0x2000  }
0x28: {  	[sflag:s20] =	ssyncset.done $0x0  }
0x29: {  	s6 =	simm.s32 $0x10;
	[sflag:s20] =	ssyncadd.s32 $0xFFFFE000  }
0x2a: {  	_ =	swait.ge [sflag:s6], $0x2000  }
0x2b: {  	s7 =	rddreg [dreg:$0x6]  }
0x2c: {  	s21 =	rddreg [dreg:$0x4];
	s7 =	sadd.s32 $0x1, s7  }
0x2d: {  	p0 =	sne.s32 s7, s21  }
.Ltmp1:
0x2e: {  	_ = 	snop;
	(pc) =	sbr.rel @!p0 .LBB2_5-.Ltmp1, $3  }
0x2f: {  	_ =	sdelay $0x1  }
0x30: {  	[sflag:s6] =	ssyncset.done $0x0  }
0x31: {  	[sflag:s6] =	ssyncadd.s32 $0xFFFFE000  }
.LBB2_1:
0x32: {  	[dreg:$0x6] =	wrdreg s7  }
0x33: {  	s5 =	rddreg [dreg:$0x3];
	s7 =	simm.s32 $0x11  }
0x34: {  	[tilespmem:s3], [sflag:$0x11] =	stream.linear.gather [hbm4b:s5+s3], $0x6400, $0x38;
	[tilespmem:$0x16400] =	vst v63  }
0x35: {  	_ =	swait.ge [sflag:s7], $0x6400  }
0x36: {  	[sflag:s7] =	ssyncset.done $0x0  }
0x37: {  	s17 =	simm.s32 $0x6400;
	[sflag:s7] =	ssyncadd.s32 $0xFFFF9C00  }
0x38: {  	[tilespmem:s17], [sflag:$0x1] =	stream.indirect.gather [hbm4b:s4+s16], $0x40, s3, s16, $0xb8;
	[tilespmem:$0x16400] =	vst v63  }
0x39: {  	s18 =	simm.s32 $0x8400  }
0x3a: {  	[tilespmem:s18], [sflag:$0x2] =	stream.indirect.gather [hbm4b:s4+s16], $0x40, s16, s16, $0xb8;
	[tilespmem:$0x16400] =	vst v63  }
0x3b: {  	s20 =	simm.s32 $0x100;
	s6 =	simm.s32 $0xA400  }
0x3c: {  	[tilespmem:s6], [sflag:$0x3] =	stream.indirect.gather [hbm4b:s4+s16], $0x40, s20, s16, $0xb8;
	[tilespmem:$0x16400] =	vst v63  }
0x3d: {  	s21 =	simm.s32 $0x180  }
0x3e: {  	[tilespmem:s22], [sflag:$0x4] =	stream.indirect.gather [hbm4b:s4+s16], $0x40, s21, s16, $0xb8;
	[tilespmem:$0x16400] =	vst v63  }
0x3f: {  	s6 =	rddreg [dreg:$0x1];
	s21 =	simm.s32 $0x0  }
.LBB2_2:
0x40: {  	_ =	swait.ge [sflag:s23], $0x2000  }
0x41: {  	s5 =	sadd.s32 s6, s10;
	p0 =	seq.s32 s21, $0x0;
	[sflag:s23] =	ssyncset.done $0x0  }
0x42: {  	s7 =	simm.s32 $0x6400;
	s17 =	simm.s32 @!p0 $0xD;
	[sflag:s23] =	ssyncadd.s32 $0xFFFFE000  }
0x43: {  	[hbm4b:s5+s3] =	stream.linear.scatter [tilespmem:s7], [sflag:$0x9], $0x2000, $0x38;
	[tilespmem:$0x16400] =	vst v63  }
0x44: {  	_ =	swait.ge @!p0 [sflag:s17], $0x2000  }
0x45: {  	s5 =	sshra.s32 s21, $0x2;
	[sflag:s17] =	ssyncset.done @!p0 $0x0  }
0x46: {  	s7 =	sadd.s32 $0x200, s5;
	[sflag:s17] =	ssyncadd.s32 @!p0 $0xFFFFE000  }
0x47: {  	[tilespmem:s24], [sflag:$0x5] =	stream.indirect.gather [hbm4b:s4+s16], $0x40, s7, s16, $0xb8;
	[tilespmem:$0x16400] =	vst v63  }
0x48: {  	_ =	swait.ge [sflag:s25], $0x2000  }
0x49: {  	s18 =	sadd.s32 s6, s9;
	[sflag:s25] =	ssyncset.done $0x0  }
0x4a: {  	s20 =	simm.s32 $0x8400;
	s17 =	simm.s32 @!p0 $0xE;
	[sflag:s25] =	ssyncadd.s32 $0xFFFFE000  }
0x4b: {  	[hbm4b:s18+s3] =	stream.linear.scatter [tilespmem:s20], [sflag:$0xA], $0x2000, $0x38;
	[tilespmem:$0x16400] =	vst v63  }
0x4c: {  	_ =	swait.ge @!p0 [sflag:s17], $0x2000  }
0x4d: {  	[sflag:s17] =	ssyncset.done @!p0 $0x0  }
0x4e: {  	s7 =	sadd.s32 $0x280, s5;
	[sflag:s17] =	ssyncadd.s32 @!p0 $0xFFFFE000  }
0x4f: {  	[tilespmem:s26], [sflag:$0x6] =	stream.indirect.gather [hbm4b:s4+s16], $0x40, s7, s16, $0xb8;
	[tilespmem:$0x16400] =	vst v63  }
0x50: {  	_ =	swait.ge [sflag:s28], $0x2000  }
0x51: {  	s18 =	sadd.s32 s6, s8;
	[sflag:s28] =	ssyncset.done $0x0  }
0x52: {  	s20 =	simm.s32 $0xA400;
	s17 =	simm.s32 @!p0 $0xF;
	[sflag:s28] =	ssyncadd.s32 $0xFFFFE000  }
0x53: {  	[hbm4b:s18+s3] =	stream.linear.scatter [tilespmem:s20], [sflag:$0xB], $0x2000, $0x38;
	[tilespmem:$0x16400] =	vst v63  }
0x54: {  	_ =	swait.ge @!p0 [sflag:s17], $0x2000  }
0x55: {  	[sflag:s17] =	ssyncset.done @!p0 $0x0  }
0x56: {  	s7 =	sadd.s32 $0x300, s5;
	[sflag:s17] =	ssyncadd.s32 @!p0 $0xFFFFE000  }
0x57: {  	[tilespmem:s29], [sflag:$0x7] =	stream.indirect.gather [hbm4b:s4+s16], $0x40, s7, s16, $0xb8;
	[tilespmem:$0x16400] =	vst v63  }
0x58: {  	_ =	swait.ge [sflag:s30], $0x2000  }
0x59: {  	[sflag:s30] =	ssyncset.done $0x0;
	s17 =	rddreg [dreg:$0x5]  }
0x5a: {  	[sflag:s30] =	ssyncadd.s32 $0xFFFFE000;
	s18 =	sadd.s32 s6, s17;
	s17 =	simm.s32 @!p0 $0x10  }
0x5b: {  	[hbm4b:s18+s3] =	stream.linear.scatter [tilespmem:s22], [sflag:$0xC], $0x2000, $0x38;
	[tilespmem:$0x16400] =	vst v63  }
0x5c: {  	_ =	swait.ge @!p0 [sflag:s17], $0x2000  }
0x5d: {  	[sflag:s17] =	ssyncset.done @!p0 $0x0  }
0x5e: {  	s20 =	sadd.s32 $0x380, s5;
	[sflag:s17] =	ssyncadd.s32 @!p0 $0xFFFFE000  }
0x5f: {  	[tilespmem:s31], [sflag:$0x8] =	stream.indirect.gather [hbm4b:s4+s16], $0x40, s20, s16, $0xb8;
	[tilespmem:$0x16400] =	vst v63  }
0x60: {  	_ =	swait.ge [sflag:s1], $0x2000  }
0x61: {  	p0 =	seq.s32 s21, $0x18000;
	[sflag:s1] =	ssyncset.done $0x0  }
0x62: {  	s7 =	sadd.s32 s6, s14;
	s17 =	simm.s32 @!p0 $0x9;
	[sflag:s1] =	ssyncadd.s32 $0xFFFFE000  }
0x63: {  	[hbm4b:s7+s3] =	stream.linear.scatter [tilespmem:s24], [sflag:$0xD], $0x2000, $0x38;
	[tilespmem:$0x16400] =	vst v63  }
0x64: {  	_ =	swait.ge @!p0 [sflag:s17], $0x2000  }
0x65: {  	[sflag:s17] =	ssyncset.done @!p0 $0x0  }
0x66: {  	[sflag:s17] =	ssyncadd.s32 @!p0 $0xFFFFE000;
	s17 =	sshra.s32 @!p0 s21, $0x2  }
0x67: {  	s20 =	simm.s32 @!p0 $0x80;
	s7 =	simm.s32 @!p0 $0x6400;
	s18 =	sadd.s32 @!p0 $0x400, s17  }
0x68: {  	[tilespmem:s7], [sflag:$0x1] =	stream.indirect.gather @!p0 [hbm4b:s4+s20], $0x40, s18, s20, $0xb8;
	[tilespmem:$0x16400] =	vst v63  }
0x69: {  	_ =	swait.ge [sflag:s0], $0x2000  }
0x6a: {  	[sflag:s0] =	ssyncset.done $0x0  }
0x6b: {  	s18 =	sadd.s32 s6, s13;
	s7 =	simm.s32 @!p0 $0xA;
	[sflag:s0] =	ssyncadd.s32 $0xFFFFE000  }
0x6c: {  	[hbm4b:s18+s3] =	stream.linear.scatter [tilespmem:s26], [sflag:$0xE], $0x2000, $0x38;
	[tilespmem:$0x16400] =	vst v63  }
0x6d: {  	_ =	swait.ge @!p0 [sflag:s7], $0x2000  }
0x6e: {  	[sflag:s7] =	ssyncset.done @!p0 $0x0  }
0x6f: {  	s18 =	simm.s32 @!p0 $0x8400;
	[sflag:s7] =	ssyncadd.s32 @!p0 $0xFFFFE000;
	s7 =	sadd.s32 @!p0 $0x480, s17  }
0x70: {  	[tilespmem:s18], [sflag:$0x2] =	stream.indirect.gather @!p0 [hbm4b:s4+s20], $0x40, s7, s20, $0xb8;
	[tilespmem:$0x16400] =	vst v63  }
0x71: {  	_ =	swait.ge [sflag:s2], $0x2000  }
0x72: {  	[sflag:s2] =	ssyncset.done $0x0  }
0x73: {  	s18 =	sadd.s32 s6, s12;
	s7 =	simm.s32 @!p0 $0xB;
	[sflag:s2] =	ssyncadd.s32 $0xFFFFE000  }
0x74: {  	[hbm4b:s18+s3] =	stream.linear.scatter [tilespmem:s29], [sflag:$0xF], $0x2000, $0x38;
	[tilespmem:$0x16400] =	vst v63  }
0x75: {  	_ =	swait.ge @!p0 [sflag:s7], $0x2000  }
0x76: {  	[sflag:s7] =	ssyncset.done @!p0 $0x0  }
0x77: {  	[sflag:s7] =	ssyncadd.s32 @!p0 $0xFFFFE000;
	s7 =	sadd.s32 @!p0 $0x500, s17;
	s17 =	simm.s32 @!p0 $0xA400  }
0x78: {  	[tilespmem:s17], [sflag:$0x3] =	stream.indirect.gather @!p0 [hbm4b:s4+s20], $0x40, s7, s20, $0xb8;
	[tilespmem:$0x16400] =	vst v63  }
.Ltmp2:
0x79: {  	_ = 	snop;
	(pc) =	sbr.rel @p0 .LBB2_4-.Ltmp2, $4  }
0x7a: {  	_ =	swait.ge [sflag:s19], $0x2000  }
0x7b: {  	[sflag:s19] =	ssyncset.done $0x0  }
0x7c: {  	s20 =	sadd.s32 s6, s11;
	[sflag:s19] =	ssyncadd.s32 $0xFFFFE000  }
0x7d: {  	[hbm4b:s20+s3] =	stream.linear.scatter [tilespmem:s31], [sflag:$0x10], $0x2000, $0x38;
	[tilespmem:$0x16400] =	vst v63  }
.Ltmp3:
0x7e: {  	(pc) =	sbr.rel .LBB2_2-.Ltmp3, $4  }
0x7f: {  	_ =	swait.ge [sflag:s15], $0x2000  }
0x80: {  	s5 =	sadd.s32 $0x580, s5;
	[sflag:s15] =	ssyncset.done $0x0  }
0x81: {  	s21 =	sadd.s32 $0x1000, s21;
	s6 =	sadd.s32 $0x2000, s6;
	[sflag:s15] =	ssyncadd.s32 $0xFFFFE000  }
0x82: {  	[tilespmem:s22], [sflag:$0x4] =	stream.indirect.gather [hbm4b:s4+s16], $0x40, s5, s16, $0xb8;
	[tilespmem:$0x16400] =	vst v63  }
.LBB2_5:
0x83: {  	_ =	sfence.sel $0x180000  }
0x84: {  	[bflag:$0x0] =	sbarrier.arrive $0xFFFF  }
0x85: {  	_ =	strace $0x90000047  }
0x86: {  	s0 =	stileid.u32;
	[bflag:$0x2] =	sbarrier.arrive $0xFFFF  }
0x87: {  	p0 =	sne.s32 s0, $0x0;
	s0 =	rddreg [dreg:$0x2]  }
0x88: {  	s0 =	sadd.s32 @!p0 $0x100000, s0  }
0x89: {  	[sflag:s0] =	ssyncadd.tile.s32 @!p0 $0x1;
	_ =	shalt  }
.Lfunc_end2:
_tile_overlayer_lowered:
.L_overlay_start_2:
0x8a: {  	(tag) =	ssettag $0x2  }
0x8b: {  	s0 =	rddreg [dreg:$0x0];
	s2 =	stileid.u32  }
0x8c: {  	s1 =	rddreg [dreg:$0x1];
	p0 =	sne.s32 s2, $0x0  }
0x8d: {  	s3 =	rddreg [dreg:$0x2];
	[bflag:$0x3] =	sbarrier.arrive $0xFFFF;
	s2 =	simm.s32 @!p0 $0x1C11  }
0x8e: {  	[timem:s3], [sflag:s2] =	dma.local @!p0 [hbm:s0], s1  }
0x8f: {  	s0 =	simm.s32 @!p0 $0x11  }
0x90: {  	_ =	swait.ge @!p0 [sflag:s0], s1  }
0x91: {  	s1 =	ssub.s32 @!p0 $0x0, s1;
	[sflag:s0] =	ssyncset.done @!p0 $0x0  }
0x92: {  	[sflag:s0] =	ssyncadd.s32 @!p0 s1  }
0x93: {  	[bflag:$0x3] =	sbarrier.arrive $0xFFFF  }
0x94: {  	_ =	shalt  }

// kernel: sparse-core-data-format-call.cloned.1.call-start
scs
called_computation_lowered:
.L_overlay_start_0:
0x0: {  	s2 =	sld [smem:$0x3FD9]  }
0x1: {  	s3 =	sld [smem:$0x3FFE];
	_ =	sdelay $0x1  }
0x2: {  	s1 =	srdreg.scid  }
0x3: {  	s0 =	sand.u32 $0x1, s1  }
0x4: {  	s18 =	sshll.u32 s0, $0xA;
	s2 =	sadd.s32 s3, s2  }
0x5: {  	s2 =	sadd.s32 s2, s18  }
0x6: {  	[smem:$0x3FC6] =	sst s2  }
0x7: {  	_ = 	snop  }
0x8: {  	s2 =	sld [smem:$0x3FD0];
	(tm) =	ssettm $0x1  }
0x9: {  	s19 =	sld [smem:$0x3FFB];
	_ =	sdelay $0x3  }
0xa: {  	_ =	strace s19  }
0xb: {  	s3 =	sld [smem:$0x3FFC];
	_ =	sdelay $0x3  }
0xc: {  	_ =	strace s3  }
0xd: {  	s3 =	sld [smem:$0x3FFD];
	_ =	sdelay $0x3  }
0xe: {  	_ =	strace s3  }
0xf: {  	_ =	strace $0x8FFFFFFF  }
0x10: {  	s20 =	sld [smem:$0x3FDB];
	_ =	sdelay $0x1  }
0x11: {  	s4 =	simm.s32 $_scs_section_size  }
0x12: {  	s5 =	simm.s32 $_size__tile_overlayer_lowered;
	s6 =	simm.s32 $_tile_overlayer_lowered  }
0x13: {  	s23 =	simm.s32 $0x1BFF;
	s22 =	sshll.u32 s6, $0x1;
	s3 =	sadd.s32 s4, s20  }
0x14: {  	s7 =	simm.s32 $0x0;
	s21 =	sshll.u32 s5, $0x1;
	s5 =	sadd.s32 s22, s3  }
0x15: {  	[timem:s7], [sflag:s23] =	dma.local [hbm:s5], s21  }
0x16: {  	_ =	swait.ge [sflag:s23], s21  }
0x17: {  	s4 =	ssub.s32 $0x0, s21;
	[sflag:s23] =	ssyncset.done $0x0  }
0x18: {  	[sflag:s23] =	ssyncadd.s32 s4;
	_ =	sdelay $0x1  }
0x19: {  	s24 =	simm.s32 $0x1B8B  }
0x1a: {  	_ =	swait.ge [sflag:s24], $0x1  }
0x1b: {  	[sflag:s24] =	ssyncset.done $0x0  }
0x1c: {  	s26 =	simm.s32 $0x1B8E;
	s25 =	sld [smem:$0x3FFE];
	[sflag:s24] =	ssyncadd.s32 $0xFFFFFFFF  }
0x1d: {  	s27 =	simm.s32 $execute0_lowered;
	[smem:$0x3FD2] =	sst s26  }
0x1e: {  	s5 =	sshll.u32 s27, $0x1;
	_ =	strace $0x80000049;
	[dreg:$0x1] =	wrdreg $0xFFFFFFFF  }
0x1f: {  	s28 =	simm.s32 $_size_execute0_lowered;
	s3 =	sadd.s32 s3, s5;
	[dreg:$0x0] =	wrdreg $0x0  }
0x20: {  	s5 =	sshll.u32 s28, $0x1;
	[dreg:$0x2] =	wrdreg s3  }
0x21: {  	[dreg:$0x3] =	wrdreg s5  }
0x22: {  	[dreg:$0x4] =	wrdreg $0xC0  }
0x23: {  	_ =	task [dreg:s7], $0x5FFFF  }
0x24: {  	[dreg:$0x1] =	wrdreg $0xFFFFFFFF  }
0x25: {  	[dreg:$0x0] =	wrdreg $0x60  }
0x26: {  	[dreg:$0x2] =	wrdreg s25  }
0x27: {  	[dreg:$0x3] =	wrdreg s2  }
0x28: {  	[dreg:$0x4] =	wrdreg $0x9  }
0x29: {  	_ =	task.clear_ibuf [dreg:s7], $0x5FFFF;
	_ =	strace $0x90000049  }
0x2a: {  	s29 =	simm.s32 $0x9;
	_ =	strace $0x8000004B  }
0x2b: {  	_ =	swait.ge [sflag:s29], $0x1  }
0x2c: {  	[sflag:s29] =	ssyncadd.s32 $0xFFFFFFFF  }
0x2d: {  	_ =	strace $0x9000004B  }
0x2e: {  	_ =	sfence  }
0x2f: {  	s30 =	sld [smem:$0x0];
	_ =	sdelay $0x2  }
0x30: {  	s31 =	sshll.u32 s1, $0xD;
	s1 =	sshrl.u32 s1, $0x2  }
0x31: {  	s3 =	sand.u32 $0x4000, s31;
	s1 =	sadd.s32 s1, s30  }
0x32: {  	s0 =	sor.u32 s3, s0;
	s1 =	sshll.u32 s1, $0x11  }
0x33: {  	s0 =	sor.u32 s1, s0  }
0x34: {  	s0 =	sadd.s32 $0x8F2B, s0  }
0x35: {  	[sflag:s0] =	ssyncadd.remote.s32 $0x1  }
0x36: {  	_ =	sfence.sel $0xFFFF  }
0x37: {  	[dreg:$0x0] =	wrdreg $0xFFFFFFFF;
	(pc) =	sbr.abs _section_cstart, $3  }
0x38: {  	[dreg:$0x1] =	wrdreg $0xFFFFFFFF  }
0x39: {  	_ =	task.clear_ibuf [dreg:s7], $0x2FFFF;
	_ =	strace $0x9FFFFFFF  }
0x3a: {  	(tm) =	ssettm $0x7FFFFFFF  }
0x3b: {  	_ =	shalt  }
tec
execute0_lowered:
.L_overlay_start_1:
0x0: {  	(tag) =	ssettag $0x1  }
0x1: {  	s0 =	srdreg.scid  }
0x2: {  	s1 =	sshll.u32 s0, $0x4  }
0x3: {  	s0 =	stileid.u32;
	s1 =	sand.u32 $0x10, s1  }
0x4: {  	s1 =	sor.u32 s0, s1  }
0x5: {  	s6 =	rddreg [dreg:$0x0];
	s4 =	simm.s32 $0x1;
	s2 =	sshll.u32 s1, $0x7  }
0x6: {  	s7 =	simm.s32 $0x2;
	s12 =	simm.s32 $0x0;
	s1 =	ssub.s32 $0x1000, s2  }
0x7: {  	s8 =	simm.s32 $0x8000;
	s13 =	simm.s32 $0x0;
	s3 =	sand.u32 $0xF80, s1  }
0x8: {  	s9 =	simm.s32 $0x0;
	s5 =	sshrl.u32 s1, $0xC;
	p0 =	sne.s32 s3, $0x0  }
.Ltmp0:
0x9: {  	s1 =	rddreg [dreg:$0x2];
	s4 =	simm.s32 @!p0 $0x0;
	(pc) =	sbr.rel .LBB1_1-.Ltmp0, $4  }
0xa: {  	s11 =	simm.s32 $0x0;
	s3 =	rddreg [dreg:$0x1];
	s5 =	sadd.s32 s4, s5  }
0xb: {  	_ =	strace $0x8000004A;
	s4 =	simm.s32 $0x1;
	s5 =	smul.u32 $0xC8, s5  }
0xc: {  	s6 =	sadd.s32 $0x800, s6;
	s10 =	smov.u32 s2;
	[sflag:s4] =	ssyncpa.u1 $0x0  }
0xd: {  	p0 =	por $0x0, $0x0;
	[sflag:s7] =	ssyncpa.u1 $0x0;
	s7 =	sor.u32 $0x1, s5  }
.LBB1_4:
0xe: {  	s16 =	sshll.u32 s13, $0x3;
	s17 =	sand.u32 $0x78, s13  }
0xf: {  	s30 =	sand.u32 $0x7E00, s13;
	s12 =	sshll.u32 s12, $0xF;
	s16 =	sand.u32 $0xC00, s16  }
0x10: {  	[tilespmem:s15+$0x810 ss:$0x81] =	vst.msk $0xffff, v2;
	s31 =	sand.u32 $0x7, s13;
	s16 =	sor.u32 s17, s16;
	s17 =	sadd.s32 s3, s30  }
0x11: {  	[tilespmem:s15+$0x1020 ss:$0x81] =	vst.msk $0xffff, v0;
	s13 =	sshll.u32 s31, $0x12;
	s12 =	sadd.s32 s12, s17;
	s16 =	sshrl.u32 s16, $0x3  }
0x12: {  	[tilespmem:s15+$0x0 ss:$0x81] =	vst.msk $0xffff, v1;
	s13 =	sor.u32 $0x400, s13;
	s12 =	sadd.s32 s16, s12  }
0x13: {  	[hbm4b:s12+s13] =	stream.strided.scatter [tilespmem:s14], [sflag:$0x2], $0x2000, s8, s13, $0x20;
	[tilespmem:$0x8080] =	vst v63  }
.LBB1_5:
0x14: {  	s14 =	sadd.s32 $0x1, s9  }
0x15: {  	s12 =	sadd.s32 $0x1000, s10;
	s16 =	smov.u32 s10;
	p2 =	sgt.s32 s14, $0xC7  }
0x16: {  	s16 =	smov.u32 @p2 s12  }
0x17: {  	s14 =	simm.s32 @p2 $0x0;
	p2 =	sgt.s32 s16, $0xFFF  }
0x18: {  	s16 =	smov.u32 @p2 s2;
	p2 =	sne.s32 s11, s7  }
.Ltmp1:
0x19: {  	p1 =	slt.u32 s11, $0x2;
	(pc) =	sbr.rel @!p2 .LBB1_6-.Ltmp1, $4  }
0x1a: {  	s15 =	simm.s32 @!p1 $0x2  }
0x1b: {  	s13 =	smov.u32 s10;
	p0 =	por !p0, !p0;
	_ =	swait.ge @!p1 [sflag:s15], $0x2000  }
0x1c: {  	s12 =	smov.u32 s9;
	[sflag:s15] =	ssyncset.done @!p1 $0x0;
	s9 =	smov.u32 s14  }
0x1d: {  	s11 =	sadd.s32 $0x1, s11;
	[sflag:s15] =	ssyncadd.s32 @!p1 $0xFFFFE000;
	s10 =	smov.u32 s16  }
.LBB1_1:
0x1e: {  	p1 =	sge.u32 s11, s5  }
0x1f: {  	s14 =	sand.u32 @!p1 $0x1FFFFFF, s9  }
0x20: {  	s15 =	smulhi.u32 @!p1 $0x147AE15, s14;
	_ =	sdelay $0x1  }
0x21: {  	s15 =	smul.u32 @!p1 $0xC8, s15  }
0x22: {  	s16 =	sxor.u32 @!p1 $0xFFFFFFFF, s11;
	s17 =	smul.u32 @!p1 $0xC80, s10  }
0x23: {  	s31 =	sadd.s32 $0xFFFFFFFF, s11;
	s16 =	sshll.u32 @!p1 s16, $0xD;
	s14 =	ssub.s32 @!p1 s14, s15  }
0x24: {  	s15 =	sand.u32 @!p1 $0x2000, s16;
	s16 =	sadd.s32 @!p1 s6, s17;
	s14 =	sshll.u32 @!p1 s14, $0x4  }
0x25: {  	s17 =	simm.s32 @!p1 $0x6400;
	s14 =	sadd.s32 @!p1 s14, s16;
	s16 =	simm.s32 @!p1 $0x40  }
0x26: {  	[tilespmem:s15], [sflag:$0x1] =	stream.strided.gather @!p1 [hbm4b:s14+s16], $0x2000, s17, s16, $0x38;
	[tilespmem:$0x8080] =	vst v63  }
0x27: {  	p1 =	sge.u32 s31, s5  }
.Ltmp2:
0x28: {  	_ = 	snop;
	(pc) =	sbr.rel @p1 .LBB1_5-.Ltmp2, $1  }
0x29: {  	_ =	sdelay $0x3  }
0x2a: {  	s14 =	simm.s32 $0x1  }
0x2b: {  	_ =	swait.ge [sflag:s4], $0x2000;
	s14 =	simm.s32 @!p0 $0x0  }
0x2c: {  	[sflag:s4] =	ssyncset.done $0x0;
	s15 =	sshll.u32 s14, $0xD  }
0x2d: {  	[sflag:s4] =	ssyncadd.s32 $0xFFFFE000;
	s18 =	sor.u32 $0x20, s15  }
0x2e: {  	s14 =	smul.u32 $0x8100, s14;
	v3 =	vld [tilespmem:s18+$0x10]  }
0x2f: {  	s30 =	sand.u32 $0x1, s11;
	v2 =	vld [tilespmem:s18+$0xFFFFFFF0]  }
0x30: {  	s15 =	smul.u32 $0x8100, s30;
	s14 =	sshrl.u32 s14, $0x2;
	v0 =	vld [tilespmem:s18+$0x0]  }
0x31: {  	v1 =	vld [tilespmem:s18+$0xFFFFFFE0];
	s16 =	sor.u32 $0x4000, s14  }
0x32: {  	s31 =	sshrl.u32 s15, $0x2;
	s15 =	sadd.s32 $0x0, s16  }
0x33: {  	s17 =	simm.s32 $0x4;
	s18 =	sadd.s32 $0x40, s18;
	s14 =	sor.u32 $0x4000, s31;
	[tilespmem:s15+$0x1830 ss:$0x81] =	vst.msk $0xffff, v3  }
.LBB1_3:
0x34: {  	v3 =	vld [tilespmem:s18+$0x10];
	p1 =	sne.s32 s17, $0x1FC;
	[tilespmem:s15+$0x810 ss:$0x81] =	vst.msk $0xffff, v2;
	s19 =	smov.u32 s17;
	s17 =	sadd.s32 $0x4, s17  }
.Ltmp3:
0x35: {  	v2 =	vld [tilespmem:s18+$0xFFFFFFF0];
	[tilespmem:s15+$0x1020 ss:$0x81] =	vst.msk $0xffff, v0;
	(pc) =	sbr.rel @p1 .LBB1_3-.Ltmp3, $4  }
0x36: {  	v0 =	vld [tilespmem:s18+$0x0];
	[tilespmem:s15+$0x0 ss:$0x81] =	vst.msk $0xffff, v1  }
0x37: {  	s15 =	sshra.s32 s19, $0x2;
	v1 =	vld [tilespmem:s18+$0xFFFFFFE0]  }
0x38: {  	s15 =	sadd.s32 s15, s16  }
0x39: {  	s18 =	sadd.s32 $0x40, s18;
	[tilespmem:s15+$0x1830 ss:$0x81] =	vst.msk $0xffff, v3  }
.Ltmp4:
0x3a: {  	_ = 	snop;
	(pc) =	sbr.rel .LBB1_4-.Ltmp4, $1  }
0x3b: {  	_ =	sdelay $0x3  }
.LBB1_6:
0x3c: {  	_ =	sfence.sel $0x180000  }
0x3d: {  	s2 =	simm.s32 $0x1;
	[bflag:$0x0] =	sbarrier.arrive $0xFFFF  }
0x3e: {  	s31 =	simm.s32 $0x2;
	[sflag:s2] =	ssyncpa.u1 $0x1  }
0x3f: {  	[sflag:s31] =	ssyncpa.u1 $0x1  }
0x40: {  	p0 =	sne.s32 s0, $0x0;
	_ =	strace $0x9000004A  }
0x41: {  	s0 =	sadd.s32 @!p0 $0x100000, s1;
	[bflag:$0x2] =	sbarrier.arrive $0xFFFF  }
0x42: {  	[sflag:s0] =	ssyncadd.tile.s32 @!p0 $0x1;
	_ =	shalt  }
.Lfunc_end1:
_tile_overlayer_lowered:
.L_overlay_start_2:
0x43: {  	(tag) =	ssettag $0x2  }
0x44: {  	s0 =	rddreg [dreg:$0x0];
	s2 =	stileid.u32  }
0x45: {  	s1 =	rddreg [dreg:$0x1];
	p0 =	sne.s32 s2, $0x0  }
0x46: {  	s3 =	rddreg [dreg:$0x2];
	[bflag:$0x3] =	sbarrier.arrive $0xFFFF;
	s2 =	simm.s32 @!p0 $0x1C01  }
0x47: {  	[timem:s3], [sflag:s2] =	dma.local @!p0 [hbm:s0], s1  }
0x48: {  	s0 =	simm.s32 @!p0 $0x1  }
0x49: {  	_ =	swait.ge @!p0 [sflag:s0], s1  }
0x4a: {  	s1 =	ssub.s32 @!p0 $0x0, s1;
	[sflag:s0] =	ssyncset.done @!p0 $0x0  }
0x4b: {  	[sflag:s0] =	ssyncadd.s32 @!p0 s1  }
0x4c: {  	[bflag:$0x3] =	sbarrier.arrive $0xFFFF  }
0x4d: {  	_ =	shalt  }

</sc_bundles>
